<compile_context>
chip_gen: v7x
topology: tpu7x:2x2x1
jax: 0.10.2.dev20260603
libtpu: 0.0.44.dev20260713+nightly
codegen_flags: <defaults>
</compile_context>

<pallas_src>
import jax
import jax.numpy as jnp
from jax import lax
from jax.experimental import pallas as pl
from jax.experimental.pallas import tpu as pltpu
from jax.experimental.pallas import tpu_sc as plsc

B, C, M, N = 4, 8, 512, 512
PLANE = M * N
BAND = 64
APRON = 16
AROWS = BAND + 2 * APRON
NCOL = N + 2 * APRON
STRIP = APRON * NCOL
CH_ROWS = 8
CHUNK_PX = CH_ROWS * N
NVEC = CHUNK_PX // 16
NPAIR = BAND // CH_ROWS // 2


def _tile_body(xf, uxf, uyf, out,
               xba, uxba, uyba, xbb, uxbb, uybb,
               accum, colf, sbuf, shared, sema, semb, semo):
    sc = lax.axis_index("c")
    sub = lax.axis_index("s")
    b = 2 * sc + (sub >> 3)
    a = sub & 7

    lane = jnp.arange(16, dtype=jnp.int32)
    band0 = a * BAND
    arow0 = band0 - APRON

    zv = jnp.zeros((16,), jnp.float32)
    def _z(i, _):
        accum[pl.ds(i * 16, 16)] = zv
        return 0
    lax.fori_loop(0, AROWS * NCOL // 16, _z, 0)

    def _c(i, _):
        colf[pl.ds(i * 16, 16)] = (i * 16 + lane).astype(jnp.float32)
        return 0
    lax.fori_loop(0, N // 16, _c, 0)

    def _fetch(off, xb, uxb, uyb, sem):
        pltpu.async_copy(xf.at[pl.ds(off, CHUNK_PX)], xb, sem)
        pltpu.async_copy(uxf.at[pl.ds(off, CHUNK_PX)], uxb, sem)
        pltpu.async_copy(uyf.at[pl.ds(off, CHUNK_PX)], uyb, sem)

    def _drain(xb, uxb, uyb, sem):
        pltpu.make_async_copy(xf.at[pl.ds(0, CHUNK_PX)], xb, sem).wait()
        pltpu.make_async_copy(uxf.at[pl.ds(0, CHUNK_PX)], uxb, sem).wait()
        pltpu.make_async_copy(uyf.at[pl.ds(0, CHUNK_PX)], uyb, sem).wait()

    def _compute(r0, xb, uxb, uyb):
        @plsc.parallel_loop(0, NVEC, unroll=3)
        def _g(g):
            o = g * 16
            dx = uxb[pl.ds(o, 16)]
            dy = uyb[pl.ds(o, 16)]
            xv = xb[pl.ds(o, 16)]
            px = dx + colf[pl.ds((g & 31) * 16, 16)]
            py = dy + (r0 + (g >> 5)).astype(jnp.float32)
            xt = px.astype(jnp.int32)
            yt = py.astype(jnp.int32)
            x0 = jnp.where(xt.astype(jnp.float32) > px, xt - 1, xt)
            y0 = jnp.where(yt.astype(jnp.float32) > py, yt - 1, yt)
            wx = px - x0.astype(jnp.float32)
            wy = py - y0.astype(jnp.float32)
            ly0 = y0 - arow0
            ly1 = ly0 + 1
            uy0 = jnp.uint32(AROWS - 1) >= plsc.bitcast(ly0, jnp.uint32)
            uy1 = jnp.uint32(AROWS - 1) >= plsc.bitcast(ly1, jnp.uint32)
            xc = jnp.clip(x0 + APRON, 0, NCOL - 2)
            a1 = wy * xv
            a0 = xv - a1
            w01 = wx * a0
            w11 = wx * a1
            iy0 = ly0 * NCOL
            i00 = iy0 + xc
            i10 = i00 + NCOL
            plsc.addupdate_scatter(accum, [i00], a0 - w01, mask=uy0)
            plsc.addupdate_scatter(accum, [i00 + 1], w01, mask=uy0)
            plsc.addupdate_scatter(accum, [i10], a1 - w11, mask=uy1)
            plsc.addupdate_scatter(accum, [i10 + 1], w11, mask=uy1)

    def ch_body(ch, _):
        base = (b * C + ch) * PLANE + band0 * N
        _fetch(base, xba, uxba, uyba, sema)

        def pair_body(k, _):
            c0 = 2 * k
            r0 = band0 + c0 * CH_ROWS
            _fetch(base + (c0 + 1) * CHUNK_PX, xbb, uxbb, uybb, semb)
            _drain(xba, uxba, uyba, sema)
            _compute(r0, xba, uxba, uyba)

            @pl.when(c0 + 2 < 2 * NPAIR)
            def _():
                _fetch(base + (c0 + 2) * CHUNK_PX, xba, uxba, uyba, sema)

            _drain(xbb, uxbb, uybb, semb)
            _compute(r0 + CH_ROWS, xbb, uxbb, uybb)
            return 0

        lax.fori_loop(0, NPAIR, pair_body, 0)
        return 0

    lax.fori_loop(0, C, ch_body, 0)

    pltpu.sync_copy(accum.at[pl.ds(0, STRIP)], shared.at[sub, 0])
    pltpu.sync_copy(accum.at[pl.ds((APRON + BAND) * NCOL, STRIP)],
                    shared.at[sub, 1])
    plsc.subcore_barrier()

    def _strip_add(dst0):
        @plsc.parallel_loop(0, STRIP // 16, unroll=4)
        def _s(i):
            plsc.addupdate(accum.at[pl.ds(dst0 + i * 16, 16)],
                           sbuf[pl.ds(i * 16, 16)])

    @pl.when(a > 0)
    def _():
        pltpu.sync_copy(shared.at[sub - 1, 1], sbuf)
        _strip_add(APRON * NCOL)

    @pl.when(a < 7)
    def _():
        pltpu.sync_copy(shared.at[sub + 1, 0], sbuf)
        _strip_add(BAND * NCOL)

    obase = b * PLANE + band0 * N

    def _ostart(r, _):
        pltpu.async_copy(
            accum.at[pl.ds((APRON + r) * NCOL + APRON, N)],
            out.at[pl.ds(obase + r * N, N)], semo)
        return 0
    lax.fori_loop(0, BAND, _ostart, 0)

    def _odrain(r, _):
        pltpu.make_async_copy(
            accum.at[pl.ds(APRON, N)],
            out.at[pl.ds(obase + r * N, N)], semo).wait()
        return 0
    lax.fori_loop(0, BAND, _odrain, 0)


@jax.jit
def _warp_adjoint_sc(xf, uxf, uyf):
    mesh = plsc.VectorSubcoreMesh(core_axis_name="c", subcore_axis_name="s")
    buf = pltpu.VMEM((CHUNK_PX,), jnp.float32)
    return pl.kernel(
        _tile_body,
        out_type=jax.ShapeDtypeStruct((B * PLANE,), jnp.float32),
        mesh=mesh,
        compiler_params=pltpu.CompilerParams(needs_layout_passes=False),
        scratch_types=[
            buf, buf, buf,
            buf, buf, buf,
            pltpu.VMEM((AROWS * NCOL,), jnp.float32),
            pltpu.VMEM((N,), jnp.float32),
            pltpu.VMEM((STRIP,), jnp.float32),
            pltpu.VMEM_SHARED((16, 2, STRIP), jnp.float32),
            pltpu.SemaphoreType.DMA,
            pltpu.SemaphoreType.DMA,
            pltpu.SemaphoreType.DMA,
        ],
    )(xf, uxf, uyf)


def kernel(x, u):
    xf = jnp.reshape(x, (-1,))
    uxf = jnp.reshape(u[..., 0], (-1,))
    uyf = jnp.reshape(u[..., 1], (-1,))
    out = _warp_adjoint_sc(xf, uxf, uyf)
    return jnp.reshape(out, (B, M, N))

# --- scband reference (transcript-rebuilt; emitter-appended) ---
"""Pipeline reference for scband-warp-adjoint-10239202034201 (READ-ONLY COPY).

The authoritative reference and input builder live on the scoring server;
editing this copy changes nothing except your own understanding.
"""

import jax, jax.numpy as jnp
import numpy as np


def _warp_transpose(x, u):
    # x: [B, 1, M, N], u: [B, M, N, 2] (u[...,0]=dx, u[...,1]=dy)
    B, _, M, N = x.shape
    xi = x[:, 0]  # [B, M, N]
    gy = jnp.arange(M, dtype=u.dtype)[:, None]
    gx = jnp.arange(N, dtype=u.dtype)[None, :]
    px = gx[None, :, :] + u[..., 0]
    py = gy[None, :, :] + u[..., 1]
    x0 = jnp.floor(px)
    y0 = jnp.floor(py)
    wx = px - x0
    wy = py - y0
    x0i = x0.astype(jnp.int32)
    y0i = y0.astype(jnp.int32)
    out = jnp.zeros((B, M * N), dtype=x.dtype)
    bidx = jnp.arange(B)[:, None]
    for dy in (0, 1):
        for dx in (0, 1):
            xx = x0i + dx
            yy = y0i + dy
            w = (wx if dx == 1 else (1.0 - wx)) * (wy if dy == 1 else (1.0 - wy))
            valid = (xx >= 0) & (xx <= N - 1) & (yy >= 0) & (yy <= M - 1)
            w = jnp.where(valid, w, 0.0)
            flat = jnp.clip(yy, 0, M - 1) * N + jnp.clip(xx, 0, N - 1)
            vals = (w * xi).reshape(B, -1)
            out = out.at[bidx, flat.reshape(B, -1)].add(vals)
    return out.reshape(B, 1, M, N)


def setup_inputs(seed: int = 0) -> dict:
    key = jax.random.key(seed)
    k1, k2 = jax.random.split(key)
    x = jax.random.normal(k1, (4, 8, 512, 512), dtype=jnp.float32)
    u = jax.random.normal(k2, (4, 8, 512, 512, 2), dtype=jnp.float32)
    return {"x": x, "u": u}


def reference(x, u):
    out_shape = u.shape[:-1]
    M, N = u.shape[-3:-1]
    xr = jnp.reshape(x, (-1, 1, M, N))
    ur = jnp.reshape(u, (-1, M, N, 2))
    x_warpT = _warp_transpose(xr, ur)
    x_warpT = jnp.reshape(x_warpT, out_shape)
    x_warpT = jnp.sum(x_warpT, axis=-3)
    return x_warpT

if __name__ == "__main__":
    import jax
    _d = setup_inputs()
    print(jax.jit(kernel)(*tuple(_d.values())))

</pallas_src>

<mosaic_0001>
#map = affine_map<(d0, d1) -> (0)>
module attributes {stable_mosaic.version = 14 : i64} {
  func.func @_tile_body(%arg0: i32, %arg1: i32, %arg2: memref<8388608xf32, #tpu.memory_space<hbm>>, %arg3: memref<8388608xf32, #tpu.memory_space<hbm>>, %arg4: memref<8388608xf32, #tpu.memory_space<hbm>>, %arg5: memref<1048576xf32, #tpu.memory_space<hbm>>, %arg6: memref<4096xf32, #tpu.memory_space<vmem>>, %arg7: memref<4096xf32, #tpu.memory_space<vmem>>, %arg8: memref<4096xf32, #tpu.memory_space<vmem>>, %arg9: memref<4096xf32, #tpu.memory_space<vmem>>, %arg10: memref<4096xf32, #tpu.memory_space<vmem>>, %arg11: memref<4096xf32, #tpu.memory_space<vmem>>, %arg12: memref<52224xf32, #tpu.memory_space<vmem>>, %arg13: memref<512xf32, #tpu.memory_space<vmem>>, %arg14: memref<8704xf32, #tpu.memory_space<vmem>>, %arg15: memref<16x2x8704xf32, #tpu.memory_space<vmem_shared>>, %arg16: memref<!tpu.dma_semaphore, #tpu.memory_space<semaphore_mem>>, %arg17: memref<!tpu.dma_semaphore, #tpu.memory_space<semaphore_mem>>, %arg18: memref<!tpu.dma_semaphore, #tpu.memory_space<semaphore_mem>>) attributes {dimension_semantics = [#tpu.dimension_semantics<core_parallel>, #tpu.dimension_semantics<subcore_parallel>], iteration_bounds = array<i64: 2, 16>, scalar_prefetch = 0 : i64, scratch_operands = 13 : i64, tpu.core_type = #tpu.core_type<sc_vector_subcore>, window_params = [{transform_indices = #map}, {transform_indices = #map}, {transform_indices = #map}, {transform_indices = #map}]} {
    %mul3A = arith.constant 2 : i32
    %mul3A_0 = arith.muli %mul3A, %arg0 : i32
    %shift_right_arithmetic3A = arith.constant 3 : i32
    %shift_right_arithmetic3A_1 = arith.shrsi %arg1, %shift_right_arithmetic3A : i32
    %add3A = arith.addi %mul3A_0, %shift_right_arithmetic3A_1 : i32
    %and3A = arith.constant 7 : i32
    %and3A_2 = arith.andi %arg1, %and3A : i32
    %iota3A = tpu.iota {dimensions = array<i32: 0>} : vector<16xi32>
    %mul3A_3 = arith.constant 64 : i32
    %mul3A_4 = arith.muli %and3A_2, %mul3A_3 : i32
    %sub3A = arith.constant 16 : i32
    %sub3A_5 = arith.subi %mul3A_4, %sub3A : i32
    %broadcast_in_dim3A = arith.constant 0.000000e+00 : f32
    %broadcast_in_dim3A_6 = vector.broadcast %broadcast_in_dim3A : f32 to vector<16xf32>
    %scan3A = arith.constant 0 : i32
    %scan3A_7 = arith.constant 0 : i32
    %scan3A_8 = arith.constant 3264 : i32
    %scan3A_9 = arith.addi %scan3A_7, %scan3A_8 : i32
    %scan3A_10 = arith.constant 1 : i32
    %scan3A_11 = scf.for %scan3A_53 = %scan3A_7 to %scan3A_9 step %scan3A_10 iter_args(%scan3A_54 = %scan3A) -> (i32)  : i32 {
      %mul3A_55 = arith.constant 16 : i32
      %mul3A_56 = arith.muli %scan3A_53, %mul3A_55 : i32
      %swap3A = arith.index_cast %mul3A_56 : i32 to index
      %swap3A_57 = tpu.vector_load %arg12[%swap3A] {strides = array<i32>} : memref<52224xf32, #tpu.memory_space<vmem>>, vector<16xf32>,
      tpu.vector_store %arg12[%swap3A], %broadcast_in_dim3A_6 {strides = array<i32>} : memref<52224xf32, #tpu.memory_space<vmem>>, vector<16xf32>,
      %scan3A_58 = arith.constant 0 : i32
      scf.yield %scan3A_58 : i32
    }
    %scan3A_12 = arith.constant 3264 : i32
    %scan3A_13 = arith.constant 0 : i32
    %scan3A_14 = arith.constant 0 : i32
    %scan3A_15 = arith.constant 32 : i32
    %scan3A_16 = arith.addi %scan3A_14, %scan3A_15 : i32
    %scan3A_17 = arith.constant 1 : i32
    %scan3A_18 = scf.for %scan3A_53 = %scan3A_14 to %scan3A_16 step %scan3A_17 iter_args(%scan3A_54 = %scan3A_13) -> (i32)  : i32 {
      %mul3A_55 = arith.constant 16 : i32
      %mul3A_56 = arith.muli %scan3A_53, %mul3A_55 : i32
      %add3A_57 = vector.broadcast %mul3A_56 : i32 to vector<16xi32>
      %add3A_58 = arith.addi %add3A_57, %iota3A : vector<16xi32>
      %convert_element_type3A_59 = arith.sitofp %add3A_58 : vector<16xi32> to vector<16xf32>
      %mul3A_60 = arith.constant 16 : i32
      %mul3A_61 = arith.muli %scan3A_53, %mul3A_60 : i32
      %swap3A = arith.index_cast %mul3A_61 : i32 to index
      %swap3A_62 = tpu.vector_load %arg13[%swap3A] {strides = array<i32>} : memref<512xf32, #tpu.memory_space<vmem>>, vector<16xf32>,
      tpu.vector_store %arg13[%swap3A], %convert_element_type3A_59 {strides = array<i32>} : memref<512xf32, #tpu.memory_space<vmem>>, vector<16xf32>,
      %scan3A_63 = arith.constant 0 : i32
      scf.yield %scan3A_63 : i32
    }
    %scan3A_19 = arith.constant 32 : i32
    %scan3A_20 = arith.constant 0 : i32
    %scan3A_21 = arith.constant 0 : i32
    %scan3A_22 = arith.constant 8 : i32
    %scan3A_23 = arith.addi %scan3A_21, %scan3A_22 : i32
    %scan3A_24 = arith.constant 1 : i32
    %scan3A_25 = scf.for %scan3A_53 = %scan3A_21 to %scan3A_23 step %scan3A_24 iter_args(%scan3A_54 = %scan3A_20) -> (i32)  : i32 {
      %mul3A_55 = arith.constant 8 : i32
      %mul3A_56 = arith.muli %add3A, %mul3A_55 : i32
      %add3A_57 = arith.addi %mul3A_56, %scan3A_53 : i32
      %mul3A_58 = arith.constant 262144 : i32
      %mul3A_59 = arith.muli %add3A_57, %mul3A_58 : i32
      %mul3A_60 = arith.constant 512 : i32
      %mul3A_61 = arith.muli %mul3A_4, %mul3A_60 : i32
      %add3A_62 = arith.addi %mul3A_59, %mul3A_61 : i32
      %dma_start3A = tpu.memref_slice %arg2[%add3A_62] : memref<8388608xf32, #tpu.memory_space<hbm>> -> memref<4096xf32, #tpu.memory_space<hbm>>
      %dma_start3A_63 = tpu.memref_slice %arg2[%add3A_62] : memref<8388608xf32, #tpu.memory_space<hbm>> -> memref<4096xf32, #tpu.memory_space<hbm>>
      tpu.enqueue_dma source(%dma_start3A_63 : memref<4096xf32, #tpu.memory_space<hbm>>) target(%arg6 : memref<4096xf32, #tpu.memory_space<vmem>>) target_semaphore(%arg16 : memref<!tpu.dma_semaphore, #tpu.memory_space<semaphore_mem>>)
      %dma_start3A_64 = tpu.memref_slice %arg3[%add3A_62] : memref<8388608xf32, #tpu.memory_space<hbm>> -> memref<4096xf32, #tpu.memory_space<hbm>>
      %dma_start3A_65 = tpu.memref_slice %arg3[%add3A_62] : memref<8388608xf32, #tpu.memory_space<hbm>> -> memref<4096xf32, #tpu.memory_space<hbm>>
      tpu.enqueue_dma source(%dma_start3A_65 : memref<4096xf32, #tpu.memory_space<hbm>>) target(%arg7 : memref<4096xf32, #tpu.memory_space<vmem>>) target_semaphore(%arg16 : memref<!tpu.dma_semaphore, #tpu.memory_space<semaphore_mem>>)
      %dma_start3A_66 = tpu.memref_slice %arg4[%add3A_62] : memref<8388608xf32, #tpu.memory_space<hbm>> -> memref<4096xf32, #tpu.memory_space<hbm>>
      %dma_start3A_67 = tpu.memref_slice %arg4[%add3A_62] : memref<8388608xf32, #tpu.memory_space<hbm>> -> memref<4096xf32, #tpu.memory_space<hbm>>
      tpu.enqueue_dma source(%dma_start3A_67 : memref<4096xf32, #tpu.memory_space<hbm>>) target(%arg8 : memref<4096xf32, #tpu.memory_space<vmem>>) target_semaphore(%arg16 : memref<!tpu.dma_semaphore, #tpu.memory_space<semaphore_mem>>)
      %scan3A_68 = arith.constant 0 : i32
      %scan3A_69 = arith.constant 0 : i32
      %scan3A_70 = arith.constant 4 : i32
      %scan3A_71 = arith.addi %scan3A_69, %scan3A_70 : i32
      %scan3A_72 = arith.constant 1 : i32
      %scan3A_73 = scf.for %scan3A_76 = %scan3A_69 to %scan3A_71 step %scan3A_72 iter_args(%scan3A_77 = %scan3A_68) -> (i32)  : i32 {
        %mul3A_78 = arith.constant 2 : i32
        %mul3A_79 = arith.muli %mul3A_78, %scan3A_76 : i32
        %mul3A_80 = arith.constant 8 : i32
        %mul3A_81 = arith.muli %mul3A_79, %mul3A_80 : i32
        %add3A_82 = arith.addi %mul3A_4, %mul3A_81 : i32
        %add3A_83 = arith.constant 1 : i32
        %add3A_84 = arith.addi %mul3A_79, %add3A_83 : i32
        %mul3A_85 = arith.constant 4096 : i32
        %mul3A_86 = arith.muli %add3A_84, %mul3A_85 : i32
        %add3A_87 = arith.addi %add3A_62, %mul3A_86 : i32
        %dma_start3A_88 = tpu.memref_slice %arg2[%add3A_87] : memref<8388608xf32, #tpu.memory_space<hbm>> -> memref<4096xf32, #tpu.memory_space<hbm>>
        %dma_start3A_89 = tpu.memref_slice %arg2[%add3A_87] : memref<8388608xf32, #tpu.memory_space<hbm>> -> memref<4096xf32, #tpu.memory_space<hbm>>
        tpu.enqueue_dma source(%dma_start3A_89 : memref<4096xf32, #tpu.memory_space<hbm>>) target(%arg9 : memref<4096xf32, #tpu.memory_space<vmem>>) target_semaphore(%arg17 : memref<!tpu.dma_semaphore, #tpu.memory_space<semaphore_mem>>)
        %dma_start3A_90 = tpu.memref_slice %arg3[%add3A_87] : memref<8388608xf32, #tpu.memory_space<hbm>> -> memref<4096xf32, #tpu.memory_space<hbm>>
        %dma_start3A_91 = tpu.memref_slice %arg3[%add3A_87] : memref<8388608xf32, #tpu.memory_space<hbm>> -> memref<4096xf32, #tpu.memory_space<hbm>>
        tpu.enqueue_dma source(%dma_start3A_91 : memref<4096xf32, #tpu.memory_space<hbm>>) target(%arg10 : memref<4096xf32, #tpu.memory_space<vmem>>) target_semaphore(%arg17 : memref<!tpu.dma_semaphore, #tpu.memory_space<semaphore_mem>>)
        %dma_start3A_92 = tpu.memref_slice %arg4[%add3A_87] : memref<8388608xf32, #tpu.memory_space<hbm>> -> memref<4096xf32, #tpu.memory_space<hbm>>
        %dma_start3A_93 = tpu.memref_slice %arg4[%add3A_87] : memref<8388608xf32, #tpu.memory_space<hbm>> -> memref<4096xf32, #tpu.memory_space<hbm>>
        tpu.enqueue_dma source(%dma_start3A_93 : memref<4096xf32, #tpu.memory_space<hbm>>) target(%arg11 : memref<4096xf32, #tpu.memory_space<vmem>>) target_semaphore(%arg17 : memref<!tpu.dma_semaphore, #tpu.memory_space<semaphore_mem>>)
        %dma_wait3A = arith.constant 0 : i32
        %dma_wait3A_94 = tpu.memref_slice %arg2[%dma_wait3A] : memref<8388608xf32, #tpu.memory_space<hbm>> -> memref<4096xf32, #tpu.memory_space<hbm>>
        %dma_wait3A_95 = arith.constant 0 : i32
        %dma_wait3A_96 = tpu.memref_slice %arg2[%dma_wait3A_95] : memref<8388608xf32, #tpu.memory_space<hbm>> -> memref<4096xf32, #tpu.memory_space<hbm>>
        tpu.wait_dma2 semaphore(%arg16 : memref<!tpu.dma_semaphore, #tpu.memory_space<semaphore_mem>>) src(%dma_wait3A_96 : memref<4096xf32, #tpu.memory_space<hbm>>) dst(%arg6 : memref<4096xf32, #tpu.memory_space<vmem>>)
        %dma_wait3A_97 = arith.constant 0 : i32
        %dma_wait3A_98 = tpu.memref_slice %arg3[%dma_wait3A_97] : memref<8388608xf32, #tpu.memory_space<hbm>> -> memref<4096xf32, #tpu.memory_space<hbm>>
        %dma_wait3A_99 = arith.constant 0 : i32
        %dma_wait3A_100 = tpu.memref_slice %arg3[%dma_wait3A_99] : memref<8388608xf32, #tpu.memory_space<hbm>> -> memref<4096xf32, #tpu.memory_space<hbm>>
        tpu.wait_dma2 semaphore(%arg16 : memref<!tpu.dma_semaphore, #tpu.memory_space<semaphore_mem>>) src(%dma_wait3A_100 : memref<4096xf32, #tpu.memory_space<hbm>>) dst(%arg7 : memref<4096xf32, #tpu.memory_space<vmem>>)
        %dma_wait3A_101 = arith.constant 0 : i32
        %dma_wait3A_102 = tpu.memref_slice %arg4[%dma_wait3A_101] : memref<8388608xf32, #tpu.memory_space<hbm>> -> memref<4096xf32, #tpu.memory_space<hbm>>
        %dma_wait3A_103 = arith.constant 0 : i32
        %dma_wait3A_104 = tpu.memref_slice %arg4[%dma_wait3A_103] : memref<8388608xf32, #tpu.memory_space<hbm>> -> memref<4096xf32, #tpu.memory_space<hbm>>
        tpu.wait_dma2 semaphore(%arg16 : memref<!tpu.dma_semaphore, #tpu.memory_space<semaphore_mem>>) src(%dma_wait3A_104 : memref<4096xf32, #tpu.memory_space<hbm>>) dst(%arg8 : memref<4096xf32, #tpu.memory_space<vmem>>)
        %parallel_loop3A = arith.constant 0 : i32
        %parallel_loop3A_105 = arith.constant 256 : i32
        %parallel_loop3A_106 = arith.constant 1 : i32
        scf.for %parallel_loop3A_132 = %parallel_loop3A to %parallel_loop3A_105 step %parallel_loop3A_106  : i32 {
          %parallel_loop3A_133 = arith.constant 16 : i32
          %parallel_loop3A_134 = arith.muli %parallel_loop3A_132, %parallel_loop3A_133 : i32
          %parallel_loop3A_135 = arith.index_cast %parallel_loop3A_134 : i32 to index
          %parallel_loop3A_136 = tpu.vector_load %arg7[%parallel_loop3A_135] {strides = array<i32>} : memref<4096xf32, #tpu.memory_space<vmem>>, vector<16xf32>,
          %parallel_loop3A_137 = arith.index_cast %parallel_loop3A_134 : i32 to index
          %parallel_loop3A_138 = tpu.vector_load %arg8[%parallel_loop3A_137] {strides = array<i32>} : memref<4096xf32, #tpu.memory_space<vmem>>, vector<16xf32>,
          %parallel_loop3A_139 = arith.index_cast %parallel_loop3A_134 : i32 to index
          %parallel_loop3A_140 = tpu.vector_load %arg6[%parallel_loop3A_139] {strides = array<i32>} : memref<4096xf32, #tpu.memory_space<vmem>>, vector<16xf32>,
          %parallel_loop3A_141 = arith.constant 31 : i32
          %parallel_loop3A_142 = arith.andi %parallel_loop3A_132, %parallel_loop3A_141 : i32
          %parallel_loop3A_143 = arith.constant 16 : i32
          %parallel_loop3A_144 = arith.muli %parallel_loop3A_142, %parallel_loop3A_143 : i32
          %parallel_loop3A_145 = arith.index_cast %parallel_loop3A_144 : i32 to index
          %parallel_loop3A_146 = tpu.vector_load %arg13[%parallel_loop3A_145] {strides = array<i32>} : memref<512xf32, #tpu.memory_space<vmem>>, vector<16xf32>,
          %parallel_loop3A_147 = arith.addf %parallel_loop3A_136, %parallel_loop3A_146 : vector<16xf32>
          %parallel_loop3A_148 = arith.constant 5 : i32
          %parallel_loop3A_149 = arith.shrsi %parallel_loop3A_132, %parallel_loop3A_148 : i32
          %parallel_loop3A_150 = arith.addi %add3A_82, %parallel_loop3A_149 : i32
          %parallel_loop3A_151 = arith.sitofp %parallel_loop3A_150 : i32 to f32
          %parallel_loop3A_152 = vector.broadcast %parallel_loop3A_151 : f32 to vector<16xf32>
          %parallel_loop3A_153 = arith.addf %parallel_loop3A_138, %parallel_loop3A_152 : vector<16xf32>
          %parallel_loop3A_154 = arith.fptosi %parallel_loop3A_147 : vector<16xf32> to vector<16xi32>
          %parallel_loop3A_155 = arith.fptosi %parallel_loop3A_153 : vector<16xf32> to vector<16xi32>
          %parallel_loop3A_156 = arith.sitofp %parallel_loop3A_154 : vector<16xi32> to vector<16xf32>
          %parallel_loop3A_157 = arith.cmpf ogt, %parallel_loop3A_156, %parallel_loop3A_147 : vector<16xf32>
          %parallel_loop3A_158 = arith.constant 1 : i32
          %parallel_loop3A_159 = vector.broadcast %parallel_loop3A_158 : i32 to vector<16xi32>
          %parallel_loop3A_160 = arith.subi %parallel_loop3A_154, %parallel_loop3A_159 : vector<16xi32>
          %parallel_loop3A_161 = arith.select %parallel_loop3A_157, %parallel_loop3A_160, %parallel_loop3A_154 : vector<16xi1>, vector<16xi32>
          %parallel_loop3A_162 = arith.sitofp %parallel_loop3A_155 : vector<16xi32> to vector<16xf32>
          %parallel_loop3A_163 = arith.cmpf ogt, %parallel_loop3A_162, %parallel_loop3A_153 : vector<16xf32>
          %parallel_loop3A_164 = arith.constant 1 : i32
          %parallel_loop3A_165 = vector.broadcast %parallel_loop3A_164 : i32 to vector<16xi32>
          %parallel_loop3A_166 = arith.subi %parallel_loop3A_155, %parallel_loop3A_165 : vector<16xi32>
          %parallel_loop3A_167 = arith.select %parallel_loop3A_163, %parallel_loop3A_166, %parallel_loop3A_155 : vector<16xi1>, vector<16xi32>
          %parallel_loop3A_168 = arith.sitofp %parallel_loop3A_161 : vector<16xi32> to vector<16xf32>
          %parallel_loop3A_169 = arith.subf %parallel_loop3A_147, %parallel_loop3A_168 : vector<16xf32>
          %parallel_loop3A_170 = arith.sitofp %parallel_loop3A_167 : vector<16xi32> to vector<16xf32>
          %parallel_loop3A_171 = arith.subf %parallel_loop3A_153, %parallel_loop3A_170 : vector<16xf32>
          %parallel_loop3A_172 = vector.broadcast %sub3A_5 : i32 to vector<16xi32>
          %parallel_loop3A_173 = arith.subi %parallel_loop3A_167, %parallel_loop3A_172 : vector<16xi32>
          %parallel_loop3A_174 = arith.constant 1 : i32
          %parallel_loop3A_175 = vector.broadcast %parallel_loop3A_174 : i32 to vector<16xi32>
          %parallel_loop3A_176 = arith.addi %parallel_loop3A_173, %parallel_loop3A_175 : vector<16xi32>
          %parallel_loop3A_177 = vector.bitcast %parallel_loop3A_173 : vector<16xi32> to vector<16xi32>
          %parallel_loop3A_178 = arith.constant 95 : i32
          %parallel_loop3A_179 = vector.broadcast %parallel_loop3A_178 : i32 to vector<16xi32>
          %parallel_loop3A_180 = arith.cmpi uge, %parallel_loop3A_179, %parallel_loop3A_177 : vector<16xi32>
          %parallel_loop3A_181 = vector.bitcast %parallel_loop3A_176 : vector<16xi32> to vector<16xi32>
          %parallel_loop3A_182 = arith.constant 95 : i32
          %parallel_loop3A_183 = vector.broadcast %parallel_loop3A_182 : i32 to vector<16xi32>
          %parallel_loop3A_184 = arith.cmpi uge, %parallel_loop3A_183, %parallel_loop3A_181 : vector<16xi32>
          %parallel_loop3A_185 = arith.constant 16 : i32
          %parallel_loop3A_186 = vector.broadcast %parallel_loop3A_185 : i32 to vector<16xi32>
          %parallel_loop3A_187 = arith.addi %parallel_loop3A_161, %parallel_loop3A_186 : vector<16xi32>
          %parallel_loop3A_188 = arith.constant 0 : i32
          %parallel_loop3A_189 = arith.constant 542 : i32
          %parallel_loop3A_190 = vector.broadcast %parallel_loop3A_188 : i32 to vector<16xi32>
          %parallel_loop3A_191 = arith.maxsi %parallel_loop3A_190, %parallel_loop3A_187 : vector<16xi32>
          %parallel_loop3A_192 = vector.broadcast %parallel_loop3A_189 : i32 to vector<16xi32>
          %parallel_loop3A_193 = arith.minsi %parallel_loop3A_192, %parallel_loop3A_191 : vector<16xi32>
          %parallel_loop3A_194 = arith.mulf %parallel_loop3A_171, %parallel_loop3A_140 : vector<16xf32>
          %parallel_loop3A_195 = arith.subf %parallel_loop3A_140, %parallel_loop3A_194 : vector<16xf32>
          %parallel_loop3A_196 = arith.mulf %parallel_loop3A_169, %parallel_loop3A_195 : vector<16xf32>
          %parallel_loop3A_197 = arith.mulf %parallel_loop3A_169, %parallel_loop3A_194 : vector<16xf32>
          %parallel_loop3A_198 = arith.constant 544 : i32
          %parallel_loop3A_199 = vector.broadcast %parallel_loop3A_198 : i32 to vector<16xi32>
          %parallel_loop3A_200 = arith.muli %parallel_loop3A_173, %parallel_loop3A_199 : vector<16xi32>
          %parallel_loop3A_201 = arith.addi %parallel_loop3A_200, %parallel_loop3A_193 : vector<16xi32>
          %parallel_loop3A_202 = arith.constant 544 : i32
          %parallel_loop3A_203 = vector.broadcast %parallel_loop3A_202 : i32 to vector<16xi32>
          %parallel_loop3A_204 = arith.addi %parallel_loop3A_201, %parallel_loop3A_203 : vector<16xi32>
          %parallel_loop3A_205 = arith.subf %parallel_loop3A_195, %parallel_loop3A_196 : vector<16xf32>
          tpu.vector_store_idx %arg12[%parallel_loop3A_201], %parallel_loop3A_205 masked %parallel_loop3A_180 {add = true} : memref<52224xf32, #tpu.memory_space<vmem>>[vector<16xi32>], vector<16xf32>, vector<16xi1>
          %parallel_loop3A_206 = arith.constant 1 : i32
          %parallel_loop3A_207 = vector.broadcast %parallel_loop3A_206 : i32 to vector<16xi32>
          %parallel_loop3A_208 = arith.addi %parallel_loop3A_201, %parallel_loop3A_207 : vector<16xi32>
          tpu.vector_store_idx %arg12[%parallel_loop3A_208], %parallel_loop3A_196 masked %parallel_loop3A_180 {add = true} : memref<52224xf32, #tpu.memory_space<vmem>>[vector<16xi32>], vector<16xf32>, vector<16xi1>
          %parallel_loop3A_209 = arith.subf %parallel_loop3A_194, %parallel_loop3A_197 : vector<16xf32>
          tpu.vector_store_idx %arg12[%parallel_loop3A_204], %parallel_loop3A_209 masked %parallel_loop3A_184 {add = true} : memref<52224xf32, #tpu.memory_space<vmem>>[vector<16xi32>], vector<16xf32>, vector<16xi1>
          %parallel_loop3A_210 = arith.constant 1 : i32
          %parallel_loop3A_211 = vector.broadcast %parallel_loop3A_210 : i32 to vector<16xi32>
          %parallel_loop3A_212 = arith.addi %parallel_loop3A_204, %parallel_loop3A_211 : vector<16xi32>
          tpu.vector_store_idx %arg12[%parallel_loop3A_212], %parallel_loop3A_197 masked %parallel_loop3A_184 {add = true} : memref<52224xf32, #tpu.memory_space<vmem>>[vector<16xi32>], vector<16xf32>, vector<16xi1>
        } {sc.loop_unroll_factor = 3 : i64, sc.parallel_access}
        %add3A_107 = arith.constant 2 : i32
        %add3A_108 = arith.addi %mul3A_79, %add3A_107 : i32
        %lt3A_109 = arith.constant 8 : i32
        %lt3A_110 = arith.cmpi slt, %add3A_108, %lt3A_109 : i32
        %convert_element_type3A_111 = arith.extui %lt3A_110 : i1 to i32
        %cond3A_112 = arith.constant 0 : i32
        %cond3A_113 = arith.cmpi ne, %convert_element_type3A_111, %cond3A_112 : i32
        scf.if %cond3A_113 {
          %add3A_132 = arith.constant 2 : i32
          %add3A_133 = arith.addi %mul3A_79, %add3A_132 : i32
          %mul3A_134 = arith.constant 4096 : i32
          %mul3A_135 = arith.muli %add3A_133, %mul3A_134 : i32
          %add3A_136 = arith.addi %add3A_62, %mul3A_135 : i32
          %dma_start3A_137 = tpu.memref_slice %arg2[%add3A_136] : memref<8388608xf32, #tpu.memory_space<hbm>> -> memref<4096xf32, #tpu.memory_space<hbm>>
          %dma_start3A_138 = tpu.memref_slice %arg2[%add3A_136] : memref<8388608xf32, #tpu.memory_space<hbm>> -> memref<4096xf32, #tpu.memory_space<hbm>>
          tpu.enqueue_dma source(%dma_start3A_138 : memref<4096xf32, #tpu.memory_space<hbm>>) target(%arg6 : memref<4096xf32, #tpu.memory_space<vmem>>) target_semaphore(%arg16 : memref<!tpu.dma_semaphore, #tpu.memory_space<semaphore_mem>>)
          %dma_start3A_139 = tpu.memref_slice %arg3[%add3A_136] : memref<8388608xf32, #tpu.memory_space<hbm>> -> memref<4096xf32, #tpu.memory_space<hbm>>
          %dma_start3A_140 = tpu.memref_slice %arg3[%add3A_136] : memref<8388608xf32, #tpu.memory_space<hbm>> -> memref<4096xf32, #tpu.memory_space<hbm>>
          tpu.enqueue_dma source(%dma_start3A_140 : memref<4096xf32, #tpu.memory_space<hbm>>) target(%arg7 : memref<4096xf32, #tpu.memory_space<vmem>>) target_semaphore(%arg16 : memref<!tpu.dma_semaphore, #tpu.memory_space<semaphore_mem>>)
          %dma_start3A_141 = tpu.memref_slice %arg4[%add3A_136] : memref<8388608xf32, #tpu.memory_space<hbm>> -> memref<4096xf32, #tpu.memory_space<hbm>>
          %dma_start3A_142 = tpu.memref_slice %arg4[%add3A_136] : memref<8388608xf32, #tpu.memory_space<hbm>> -> memref<4096xf32, #tpu.memory_space<hbm>>
          tpu.enqueue_dma source(%dma_start3A_142 : memref<4096xf32, #tpu.memory_space<hbm>>) target(%arg8 : memref<4096xf32, #tpu.memory_space<vmem>>) target_semaphore(%arg16 : memref<!tpu.dma_semaphore, #tpu.memory_space<semaphore_mem>>)
        } else {
        }
        %dma_wait3A_114 = arith.constant 0 : i32
        %dma_wait3A_115 = tpu.memref_slice %arg2[%dma_wait3A_114] : memref<8388608xf32, #tpu.memory_space<hbm>> -> memref<4096xf32, #tpu.memory_space<hbm>>
        %dma_wait3A_116 = arith.constant 0 : i32
        %dma_wait3A_117 = tpu.memref_slice %arg2[%dma_wait3A_116] : memref<8388608xf32, #tpu.memory_space<hbm>> -> memref<4096xf32, #tpu.memory_space<hbm>>
        tpu.wait_dma2 semaphore(%arg17 : memref<!tpu.dma_semaphore, #tpu.memory_space<semaphore_mem>>) src(%dma_wait3A_117 : memref<4096xf32, #tpu.memory_space<hbm>>) dst(%arg9 : memref<4096xf32, #tpu.memory_space<vmem>>)
        %dma_wait3A_118 = arith.constant 0 : i32
        %dma_wait3A_119 = tpu.memref_slice %arg3[%dma_wait3A_118] : memref<8388608xf32, #tpu.memory_space<hbm>> -> memref<4096xf32, #tpu.memory_space<hbm>>
        %dma_wait3A_120 = arith.constant 0 : i32
        %dma_wait3A_121 = tpu.memref_slice %arg3[%dma_wait3A_120] : memref<8388608xf32, #tpu.memory_space<hbm>> -> memref<4096xf32, #tpu.memory_space<hbm>>
        tpu.wait_dma2 semaphore(%arg17 : memref<!tpu.dma_semaphore, #tpu.memory_space<semaphore_mem>>) src(%dma_wait3A_121 : memref<4096xf32, #tpu.memory_space<hbm>>) dst(%arg10 : memref<4096xf32, #tpu.memory_space<vmem>>)
        %dma_wait3A_122 = arith.constant 0 : i32
        %dma_wait3A_123 = tpu.memref_slice %arg4[%dma_wait3A_122] : memref<8388608xf32, #tpu.memory_space<hbm>> -> memref<4096xf32, #tpu.memory_space<hbm>>
        %dma_wait3A_124 = arith.constant 0 : i32
        %dma_wait3A_125 = tpu.memref_slice %arg4[%dma_wait3A_124] : memref<8388608xf32, #tpu.memory_space<hbm>> -> memref<4096xf32, #tpu.memory_space<hbm>>
        tpu.wait_dma2 semaphore(%arg17 : memref<!tpu.dma_semaphore, #tpu.memory_space<semaphore_mem>>) src(%dma_wait3A_125 : memref<4096xf32, #tpu.memory_space<hbm>>) dst(%arg11 : memref<4096xf32, #tpu.memory_space<vmem>>)
        %add3A_126 = arith.constant 8 : i32
        %add3A_127 = arith.addi %add3A_82, %add3A_126 : i32
        %parallel_loop3A_128 = arith.constant 0 : i32
        %parallel_loop3A_129 = arith.constant 256 : i32
        %parallel_loop3A_130 = arith.constant 1 : i32
        scf.for %parallel_loop3A_132 = %parallel_loop3A_128 to %parallel_loop3A_129 step %parallel_loop3A_130  : i32 {
          %parallel_loop3A_133 = arith.constant 16 : i32
          %parallel_loop3A_134 = arith.muli %parallel_loop3A_132, %parallel_loop3A_133 : i32
          %parallel_loop3A_135 = arith.index_cast %parallel_loop3A_134 : i32 to index
          %parallel_loop3A_136 = tpu.vector_load %arg10[%parallel_loop3A_135] {strides = array<i32>} : memref<4096xf32, #tpu.memory_space<vmem>>, vector<16xf32>,
          %parallel_loop3A_137 = arith.index_cast %parallel_loop3A_134 : i32 to index
          %parallel_loop3A_138 = tpu.vector_load %arg11[%parallel_loop3A_137] {strides = array<i32>} : memref<4096xf32, #tpu.memory_space<vmem>>, vector<16xf32>,
          %parallel_loop3A_139 = arith.index_cast %parallel_loop3A_134 : i32 to index
          %parallel_loop3A_140 = tpu.vector_load %arg9[%parallel_loop3A_139] {strides = array<i32>} : memref<4096xf32, #tpu.memory_space<vmem>>, vector<16xf32>,
          %parallel_loop3A_141 = arith.constant 31 : i32
          %parallel_loop3A_142 = arith.andi %parallel_loop3A_132, %parallel_loop3A_141 : i32
          %parallel_loop3A_143 = arith.constant 16 : i32
          %parallel_loop3A_144 = arith.muli %parallel_loop3A_142, %parallel_loop3A_143 : i32
          %parallel_loop3A_145 = arith.index_cast %parallel_loop3A_144 : i32 to index
          %parallel_loop3A_146 = tpu.vector_load %arg13[%parallel_loop3A_145] {strides = array<i32>} : memref<512xf32, #tpu.memory_space<vmem>>, vector<16xf32>,
          %parallel_loop3A_147 = arith.addf %parallel_loop3A_136, %parallel_loop3A_146 : vector<16xf32>
          %parallel_loop3A_148 = arith.constant 5 : i32
          %parallel_loop3A_149 = arith.shrsi %parallel_loop3A_132, %parallel_loop3A_148 : i32
          %parallel_loop3A_150 = arith.addi %add3A_127, %parallel_loop3A_149 : i32
          %parallel_loop3A_151 = arith.sitofp %parallel_loop3A_150 : i32 to f32
          %parallel_loop3A_152 = vector.broadcast %parallel_loop3A_151 : f32 to vector<16xf32>
          %parallel_loop3A_153 = arith.addf %parallel_loop3A_138, %parallel_loop3A_152 : vector<16xf32>
          %parallel_loop3A_154 = arith.fptosi %parallel_loop3A_147 : vector<16xf32> to vector<16xi32>
          %parallel_loop3A_155 = arith.fptosi %parallel_loop3A_153 : vector<16xf32> to vector<16xi32>
          %parallel_loop3A_156 = arith.sitofp %parallel_loop3A_154 : vector<16xi32> to vector<16xf32>
          %parallel_loop3A_157 = arith.cmpf ogt, %parallel_loop3A_156, %parallel_loop3A_147 : vector<16xf32>
          %parallel_loop3A_158 = arith.constant 1 : i32
          %parallel_loop3A_159 = vector.broadcast %parallel_loop3A_158 : i32 to vector<16xi32>
          %parallel_loop3A_160 = arith.subi %parallel_loop3A_154, %parallel_loop3A_159 : vector<16xi32>
          %parallel_loop3A_161 = arith.select %parallel_loop3A_157, %parallel_loop3A_160, %parallel_loop3A_154 : vector<16xi1>, vector<16xi32>
          %parallel_loop3A_162 = arith.sitofp %parallel_loop3A_155 : vector<16xi32> to vector<16xf32>
          %parallel_loop3A_163 = arith.cmpf ogt, %parallel_loop3A_162, %parallel_loop3A_153 : vector<16xf32>
          %parallel_loop3A_164 = arith.constant 1 : i32
          %parallel_loop3A_165 = vector.broadcast %parallel_loop3A_164 : i32 to vector<16xi32>
          %parallel_loop3A_166 = arith.subi %parallel_loop3A_155, %parallel_loop3A_165 : vector<16xi32>
          %parallel_loop3A_167 = arith.select %parallel_loop3A_163, %parallel_loop3A_166, %parallel_loop3A_155 : vector<16xi1>, vector<16xi32>
          %parallel_loop3A_168 = arith.sitofp %parallel_loop3A_161 : vector<16xi32> to vector<16xf32>
          %parallel_loop3A_169 = arith.subf %parallel_loop3A_147, %parallel_loop3A_168 : vector<16xf32>
          %parallel_loop3A_170 = arith.sitofp %parallel_loop3A_167 : vector<16xi32> to vector<16xf32>
          %parallel_loop3A_171 = arith.subf %parallel_loop3A_153, %parallel_loop3A_170 : vector<16xf32>
          %parallel_loop3A_172 = vector.broadcast %sub3A_5 : i32 to vector<16xi32>
          %parallel_loop3A_173 = arith.subi %parallel_loop3A_167, %parallel_loop3A_172 : vector<16xi32>
          %parallel_loop3A_174 = arith.constant 1 : i32
          %parallel_loop3A_175 = vector.broadcast %parallel_loop3A_174 : i32 to vector<16xi32>
          %parallel_loop3A_176 = arith.addi %parallel_loop3A_173, %parallel_loop3A_175 : vector<16xi32>
          %parallel_loop3A_177 = vector.bitcast %parallel_loop3A_173 : vector<16xi32> to vector<16xi32>
          %parallel_loop3A_178 = arith.constant 95 : i32
          %parallel_loop3A_179 = vector.broadcast %parallel_loop3A_178 : i32 to vector<16xi32>
          %parallel_loop3A_180 = arith.cmpi uge, %parallel_loop3A_179, %parallel_loop3A_177 : vector<16xi32>
          %parallel_loop3A_181 = vector.bitcast %parallel_loop3A_176 : vector<16xi32> to vector<16xi32>
          %parallel_loop3A_182 = arith.constant 95 : i32
          %parallel_loop3A_183 = vector.broadcast %parallel_loop3A_182 : i32 to vector<16xi32>
          %parallel_loop3A_184 = arith.cmpi uge, %parallel_loop3A_183, %parallel_loop3A_181 : vector<16xi32>
          %parallel_loop3A_185 = arith.constant 16 : i32
          %parallel_loop3A_186 = vector.broadcast %parallel_loop3A_185 : i32 to vector<16xi32>
          %parallel_loop3A_187 = arith.addi %parallel_loop3A_161, %parallel_loop3A_186 : vector<16xi32>
          %parallel_loop3A_188 = arith.constant 0 : i32
          %parallel_loop3A_189 = arith.constant 542 : i32
          %parallel_loop3A_190 = vector.broadcast %parallel_loop3A_188 : i32 to vector<16xi32>
          %parallel_loop3A_191 = arith.maxsi %parallel_loop3A_190, %parallel_loop3A_187 : vector<16xi32>
          %parallel_loop3A_192 = vector.broadcast %parallel_loop3A_189 : i32 to vector<16xi32>
          %parallel_loop3A_193 = arith.minsi %parallel_loop3A_192, %parallel_loop3A_191 : vector<16xi32>
          %parallel_loop3A_194 = arith.mulf %parallel_loop3A_171, %parallel_loop3A_140 : vector<16xf32>
          %parallel_loop3A_195 = arith.subf %parallel_loop3A_140, %parallel_loop3A_194 : vector<16xf32>
          %parallel_loop3A_196 = arith.mulf %parallel_loop3A_169, %parallel_loop3A_195 : vector<16xf32>
          %parallel_loop3A_197 = arith.mulf %parallel_loop3A_169, %parallel_loop3A_194 : vector<16xf32>
          %parallel_loop3A_198 = arith.constant 544 : i32
          %parallel_loop3A_199 = vector.broadcast %parallel_loop3A_198 : i32 to vector<16xi32>
          %parallel_loop3A_200 = arith.muli %parallel_loop3A_173, %parallel_loop3A_199 : vector<16xi32>
          %parallel_loop3A_201 = arith.addi %parallel_loop3A_200, %parallel_loop3A_193 : vector<16xi32>
          %parallel_loop3A_202 = arith.constant 544 : i32
          %parallel_loop3A_203 = vector.broadcast %parallel_loop3A_202 : i32 to vector<16xi32>
          %parallel_loop3A_204 = arith.addi %parallel_loop3A_201, %parallel_loop3A_203 : vector<16xi32>
          %parallel_loop3A_205 = arith.subf %parallel_loop3A_195, %parallel_loop3A_196 : vector<16xf32>
          tpu.vector_store_idx %arg12[%parallel_loop3A_201], %parallel_loop3A_205 masked %parallel_loop3A_180 {add = true} : memref<52224xf32, #tpu.memory_space<vmem>>[vector<16xi32>], vector<16xf32>, vector<16xi1>
          %parallel_loop3A_206 = arith.constant 1 : i32
          %parallel_loop3A_207 = vector.broadcast %parallel_loop3A_206 : i32 to vector<16xi32>
          %parallel_loop3A_208 = arith.addi %parallel_loop3A_201, %parallel_loop3A_207 : vector<16xi32>
          tpu.vector_store_idx %arg12[%parallel_loop3A_208], %parallel_loop3A_196 masked %parallel_loop3A_180 {add = true} : memref<52224xf32, #tpu.memory_space<vmem>>[vector<16xi32>], vector<16xf32>, vector<16xi1>
          %parallel_loop3A_209 = arith.subf %parallel_loop3A_194, %parallel_loop3A_197 : vector<16xf32>
          tpu.vector_store_idx %arg12[%parallel_loop3A_204], %parallel_loop3A_209 masked %parallel_loop3A_184 {add = true} : memref<52224xf32, #tpu.memory_space<vmem>>[vector<16xi32>], vector<16xf32>, vector<16xi1>
          %parallel_loop3A_210 = arith.constant 1 : i32
          %parallel_loop3A_211 = vector.broadcast %parallel_loop3A_210 : i32 to vector<16xi32>
          %parallel_loop3A_212 = arith.addi %parallel_loop3A_204, %parallel_loop3A_211 : vector<16xi32>
          tpu.vector_store_idx %arg12[%parallel_loop3A_212], %parallel_loop3A_197 masked %parallel_loop3A_184 {add = true} : memref<52224xf32, #tpu.memory_space<vmem>>[vector<16xi32>], vector<16xf32>, vector<16xi1>
        } {sc.loop_unroll_factor = 3 : i64, sc.parallel_access}
        %scan3A_131 = arith.constant 0 : i32
        scf.yield %scan3A_131 : i32
      }
      %scan3A_74 = arith.constant 4 : i32
      %scan3A_75 = arith.constant 0 : i32
      scf.yield %scan3A_75 : i32
    }
    %scan3A_26 = arith.constant 8 : i32
    %run_scoped3A = arith.constant 0 : i32
    "tpu.region"() ({
      %run_scoped3A_53 = tpu.sem_alloc : memref<!tpu.dma_semaphore, #tpu.memory_space<semaphore_mem>>
      %dma_start3A = arith.constant 0 : i32
      %dma_start3A_54 = tpu.memref_slice %arg12[%dma_start3A] : memref<52224xf32, #tpu.memory_space<vmem>> -> memref<8704xf32, #tpu.memory_space<vmem>>
      %dma_start3A_55 = arith.constant 0 : i32
      %dma_start3A_56 = tpu.memref_slice %arg15[%arg1, %run_scoped3A, %dma_start3A_55] : memref<16x2x8704xf32, #tpu.memory_space<vmem_shared>> -> memref<1x1x8704xf32, #tpu.memory_space<vmem_shared>>
      %dma_start3A_57 = tpu.memref_squeeze %dma_start3A_56 : memref<1x1x8704xf32, #tpu.memory_space<vmem_shared>> -> memref<8704xf32, #tpu.memory_space<vmem_shared>>
      %dma_start3A_58 = arith.constant 0 : i32
      %dma_start3A_59 = tpu.memref_slice %arg15[%arg1, %run_scoped3A, %dma_start3A_58] : memref<16x2x8704xf32, #tpu.memory_space<vmem_shared>> -> memref<1x1x8704xf32, #tpu.memory_space<vmem_shared>>
      %dma_start3A_60 = tpu.memref_squeeze %dma_start3A_59 : memref<1x1x8704xf32, #tpu.memory_space<vmem_shared>> -> memref<8704xf32, #tpu.memory_space<vmem_shared>>
      %dma_start3A_61 = arith.constant 0 : i32
      %dma_start3A_62 = tpu.memref_slice %arg12[%dma_start3A_61] : memref<52224xf32, #tpu.memory_space<vmem>> -> memref<8704xf32, #tpu.memory_space<vmem>>
      tpu.enqueue_dma source(%dma_start3A_62 : memref<8704xf32, #tpu.memory_space<vmem>>) target(%dma_start3A_60 : memref<8704xf32, #tpu.memory_space<vmem_shared>>) target_semaphore(%run_scoped3A_53 : memref<!tpu.dma_semaphore, #tpu.memory_space<semaphore_mem>>)
      %dma_wait3A = arith.constant 0 : i32
      %dma_wait3A_63 = tpu.memref_slice %arg12[%dma_wait3A] : memref<52224xf32, #tpu.memory_space<vmem>> -> memref<8704xf32, #tpu.memory_space<vmem>>
      %dma_wait3A_64 = arith.constant 0 : i32
      %dma_wait3A_65 = tpu.memref_slice %arg15[%arg1, %run_scoped3A, %dma_wait3A_64] : memref<16x2x8704xf32, #tpu.memory_space<vmem_shared>> -> memref<1x1x8704xf32, #tpu.memory_space<vmem_shared>>
      %dma_wait3A_66 = tpu.memref_squeeze %dma_wait3A_65 : memref<1x1x8704xf32, #tpu.memory_space<vmem_shared>> -> memref<8704xf32, #tpu.memory_space<vmem_shared>>
      %dma_wait3A_67 = arith.constant 0 : i32
      %dma_wait3A_68 = tpu.memref_slice %arg15[%arg1, %run_scoped3A, %dma_wait3A_67] : memref<16x2x8704xf32, #tpu.memory_space<vmem_shared>> -> memref<1x1x8704xf32, #tpu.memory_space<vmem_shared>>
      %dma_wait3A_69 = tpu.memref_squeeze %dma_wait3A_68 : memref<1x1x8704xf32, #tpu.memory_space<vmem_shared>> -> memref<8704xf32, #tpu.memory_space<vmem_shared>>
      %dma_wait3A_70 = arith.constant 0 : i32
      %dma_wait3A_71 = tpu.memref_slice %arg12[%dma_wait3A_70] : memref<52224xf32, #tpu.memory_space<vmem>> -> memref<8704xf32, #tpu.memory_space<vmem>>
      tpu.wait_dma2 semaphore(%run_scoped3A_53 : memref<!tpu.dma_semaphore, #tpu.memory_space<semaphore_mem>>) src(%dma_wait3A_71 : memref<8704xf32, #tpu.memory_space<vmem>>) dst(%dma_wait3A_69 : memref<8704xf32, #tpu.memory_space<vmem_shared>>)
      tpu.yield
    }) : () -> ()
    %run_scoped3A_27 = arith.constant 1 : i32
    "tpu.region"() ({
      %run_scoped3A_53 = tpu.sem_alloc : memref<!tpu.dma_semaphore, #tpu.memory_space<semaphore_mem>>
      %dma_start3A = arith.constant 43520 : i32
      %dma_start3A_54 = tpu.memref_slice %arg12[%dma_start3A] : memref<52224xf32, #tpu.memory_space<vmem>> -> memref<8704xf32, #tpu.memory_space<vmem>>
      %dma_start3A_55 = arith.constant 0 : i32
      %dma_start3A_56 = tpu.memref_slice %arg15[%arg1, %run_scoped3A_27, %dma_start3A_55] : memref<16x2x8704xf32, #tpu.memory_space<vmem_shared>> -> memref<1x1x8704xf32, #tpu.memory_space<vmem_shared>>
      %dma_start3A_57 = tpu.memref_squeeze %dma_start3A_56 : memref<1x1x8704xf32, #tpu.memory_space<vmem_shared>> -> memref<8704xf32, #tpu.memory_space<vmem_shared>>
      %dma_start3A_58 = arith.constant 0 : i32
      %dma_start3A_59 = tpu.memref_slice %arg15[%arg1, %run_scoped3A_27, %dma_start3A_58] : memref<16x2x8704xf32, #tpu.memory_space<vmem_shared>> -> memref<1x1x8704xf32, #tpu.memory_space<vmem_shared>>
      %dma_start3A_60 = tpu.memref_squeeze %dma_start3A_59 : memref<1x1x8704xf32, #tpu.memory_space<vmem_shared>> -> memref<8704xf32, #tpu.memory_space<vmem_shared>>
      %dma_start3A_61 = arith.constant 43520 : i32
      %dma_start3A_62 = tpu.memref_slice %arg12[%dma_start3A_61] : memref<52224xf32, #tpu.memory_space<vmem>> -> memref<8704xf32, #tpu.memory_space<vmem>>
      tpu.enqueue_dma source(%dma_start3A_62 : memref<8704xf32, #tpu.memory_space<vmem>>) target(%dma_start3A_60 : memref<8704xf32, #tpu.memory_space<vmem_shared>>) target_semaphore(%run_scoped3A_53 : memref<!tpu.dma_semaphore, #tpu.memory_space<semaphore_mem>>)
      %dma_wait3A = arith.constant 43520 : i32
      %dma_wait3A_63 = tpu.memref_slice %arg12[%dma_wait3A] : memref<52224xf32, #tpu.memory_space<vmem>> -> memref<8704xf32, #tpu.memory_space<vmem>>
      %dma_wait3A_64 = arith.constant 0 : i32
      %dma_wait3A_65 = tpu.memref_slice %arg15[%arg1, %run_scoped3A_27, %dma_wait3A_64] : memref<16x2x8704xf32, #tpu.memory_space<vmem_shared>> -> memref<1x1x8704xf32, #tpu.memory_space<vmem_shared>>
      %dma_wait3A_66 = tpu.memref_squeeze %dma_wait3A_65 : memref<1x1x8704xf32, #tpu.memory_space<vmem_shared>> -> memref<8704xf32, #tpu.memory_space<vmem_shared>>
      %dma_wait3A_67 = arith.constant 0 : i32
      %dma_wait3A_68 = tpu.memref_slice %arg15[%arg1, %run_scoped3A_27, %dma_wait3A_67] : memref<16x2x8704xf32, #tpu.memory_space<vmem_shared>> -> memref<1x1x8704xf32, #tpu.memory_space<vmem_shared>>
      %dma_wait3A_69 = tpu.memref_squeeze %dma_wait3A_68 : memref<1x1x8704xf32, #tpu.memory_space<vmem_shared>> -> memref<8704xf32, #tpu.memory_space<vmem_shared>>
      %dma_wait3A_70 = arith.constant 43520 : i32
      %dma_wait3A_71 = tpu.memref_slice %arg12[%dma_wait3A_70] : memref<52224xf32, #tpu.memory_space<vmem>> -> memref<8704xf32, #tpu.memory_space<vmem>>
      tpu.wait_dma2 semaphore(%run_scoped3A_53 : memref<!tpu.dma_semaphore, #tpu.memory_space<semaphore_mem>>) src(%dma_wait3A_71 : memref<8704xf32, #tpu.memory_space<vmem>>) dst(%dma_wait3A_69 : memref<8704xf32, #tpu.memory_space<vmem_shared>>)
      tpu.yield
    }) : () -> ()
    %barrier3A = arith.constant 0 : index
    tpu.barrier barrier_id(%barrier3A)
    %gt3A = arith.constant 0 : i32
    %gt3A_28 = arith.cmpi sgt, %and3A_2, %gt3A : i32
    %convert_element_type3A = arith.extui %gt3A_28 : i1 to i32
    %cond3A = arith.constant 0 : i32
    %cond3A_29 = arith.cmpi ne, %convert_element_type3A, %cond3A : i32
    scf.if %cond3A_29 {
      %sub3A_53 = arith.constant 1 : i32
      %sub3A_54 = arith.subi %arg1, %sub3A_53 : i32
      %run_scoped3A_55 = arith.constant 1 : i32
      "tpu.region"() ({
        %run_scoped3A_58 = tpu.sem_alloc : memref<!tpu.dma_semaphore, #tpu.memory_space<semaphore_mem>>
        %dma_start3A = arith.constant 0 : i32
        %dma_start3A_59 = tpu.memref_slice %arg15[%sub3A_54, %run_scoped3A_55, %dma_start3A] : memref<16x2x8704xf32, #tpu.memory_space<vmem_shared>> -> memref<1x1x8704xf32, #tpu.memory_space<vmem_shared>>
        %dma_start3A_60 = tpu.memref_squeeze %dma_start3A_59 : memref<1x1x8704xf32, #tpu.memory_space<vmem_shared>> -> memref<8704xf32, #tpu.memory_space<vmem_shared>>
        %dma_start3A_61 = arith.constant 0 : i32
        %dma_start3A_62 = tpu.memref_slice %arg15[%sub3A_54, %run_scoped3A_55, %dma_start3A_61] : memref<16x2x8704xf32, #tpu.memory_space<vmem_shared>> -> memref<1x1x8704xf32, #tpu.memory_space<vmem_shared>>
        %dma_start3A_63 = tpu.memref_squeeze %dma_start3A_62 : memref<1x1x8704xf32, #tpu.memory_space<vmem_shared>> -> memref<8704xf32, #tpu.memory_space<vmem_shared>>
        tpu.enqueue_dma source(%dma_start3A_63 : memref<8704xf32, #tpu.memory_space<vmem_shared>>) target(%arg14 : memref<8704xf32, #tpu.memory_space<vmem>>) target_semaphore(%run_scoped3A_58 : memref<!tpu.dma_semaphore, #tpu.memory_space<semaphore_mem>>)
        %dma_wait3A = arith.constant 0 : i32
        %dma_wait3A_64 = tpu.memref_slice %arg15[%sub3A_54, %run_scoped3A_55, %dma_wait3A] : memref<16x2x8704xf32, #tpu.memory_space<vmem_shared>> -> memref<1x1x8704xf32, #tpu.memory_space<vmem_shared>>
        %dma_wait3A_65 = tpu.memref_squeeze %dma_wait3A_64 : memref<1x1x8704xf32, #tpu.memory_space<vmem_shared>> -> memref<8704xf32, #tpu.memory_space<vmem_shared>>
        %dma_wait3A_66 = arith.constant 0 : i32
        %dma_wait3A_67 = tpu.memref_slice %arg15[%sub3A_54, %run_scoped3A_55, %dma_wait3A_66] : memref<16x2x8704xf32, #tpu.memory_space<vmem_shared>> -> memref<1x1x8704xf32, #tpu.memory_space<vmem_shared>>
        %dma_wait3A_68 = tpu.memref_squeeze %dma_wait3A_67 : memref<1x1x8704xf32, #tpu.memory_space<vmem_shared>> -> memref<8704xf32, #tpu.memory_space<vmem_shared>>
        tpu.wait_dma2 semaphore(%run_scoped3A_58 : memref<!tpu.dma_semaphore, #tpu.memory_space<semaphore_mem>>) src(%dma_wait3A_68 : memref<8704xf32, #tpu.memory_space<vmem_shared>>) dst(%arg14 : memref<8704xf32, #tpu.memory_space<vmem>>)
        tpu.yield
      }) : () -> ()
      %parallel_loop3A = arith.constant 0 : i32
      %parallel_loop3A_56 = arith.constant 544 : i32
      %parallel_loop3A_57 = arith.constant 1 : i32
      scf.for %parallel_loop3A_58 = %parallel_loop3A to %parallel_loop3A_56 step %parallel_loop3A_57  : i32 {
        %parallel_loop3A_59 = arith.constant 16 : i32
        %parallel_loop3A_60 = arith.muli %parallel_loop3A_58, %parallel_loop3A_59 : i32
        %parallel_loop3A_61 = arith.constant 8704 : i32
        %parallel_loop3A_62 = arith.addi %parallel_loop3A_61, %parallel_loop3A_60 : i32
        %parallel_loop3A_63 = arith.constant 16 : i32
        %parallel_loop3A_64 = arith.muli %parallel_loop3A_58, %parallel_loop3A_63 : i32
        %parallel_loop3A_65 = arith.index_cast %parallel_loop3A_64 : i32 to index
        %parallel_loop3A_66 = tpu.vector_load %arg14[%parallel_loop3A_65] {strides = array<i32>} : memref<8704xf32, #tpu.memory_space<vmem>>, vector<16xf32>,
        %parallel_loop3A_67 = arith.index_cast %parallel_loop3A_62 : i32 to index
        %parallel_loop3A_68 = tpu.vector_load %arg12[%parallel_loop3A_67] {strides = array<i32>} : memref<52224xf32, #tpu.memory_space<vmem>>, vector<16xf32>,
        tpu.vector_store %arg12[%parallel_loop3A_67], %parallel_loop3A_66 {add = true, strides = array<i32>} : memref<52224xf32, #tpu.memory_space<vmem>>, vector<16xf32>,
      } {sc.loop_unroll_factor = 4 : i64, sc.parallel_access}
    } else {
    }
    %lt3A = arith.constant 7 : i32
    %lt3A_30 = arith.cmpi slt, %and3A_2, %lt3A : i32
    %convert_element_type3A_31 = arith.extui %lt3A_30 : i1 to i32
    %cond3A_32 = arith.constant 0 : i32
    %cond3A_33 = arith.cmpi ne, %convert_element_type3A_31, %cond3A_32 : i32
    scf.if %cond3A_33 {
      %add3A_53 = arith.constant 1 : i32
      %add3A_54 = arith.addi %arg1, %add3A_53 : i32
      %run_scoped3A_55 = arith.constant 0 : i32
      "tpu.region"() ({
        %run_scoped3A_58 = tpu.sem_alloc : memref<!tpu.dma_semaphore, #tpu.memory_space<semaphore_mem>>
        %dma_start3A = arith.constant 0 : i32
        %dma_start3A_59 = tpu.memref_slice %arg15[%add3A_54, %run_scoped3A_55, %dma_start3A] : memref<16x2x8704xf32, #tpu.memory_space<vmem_shared>> -> memref<1x1x8704xf32, #tpu.memory_space<vmem_shared>>
        %dma_start3A_60 = tpu.memref_squeeze %dma_start3A_59 : memref<1x1x8704xf32, #tpu.memory_space<vmem_shared>> -> memref<8704xf32, #tpu.memory_space<vmem_shared>>
        %dma_start3A_61 = arith.constant 0 : i32
        %dma_start3A_62 = tpu.memref_slice %arg15[%add3A_54, %run_scoped3A_55, %dma_start3A_61] : memref<16x2x8704xf32, #tpu.memory_space<vmem_shared>> -> memref<1x1x8704xf32, #tpu.memory_space<vmem_shared>>
        %dma_start3A_63 = tpu.memref_squeeze %dma_start3A_62 : memref<1x1x8704xf32, #tpu.memory_space<vmem_shared>> -> memref<8704xf32, #tpu.memory_space<vmem_shared>>
        tpu.enqueue_dma source(%dma_start3A_63 : memref<8704xf32, #tpu.memory_space<vmem_shared>>) target(%arg14 : memref<8704xf32, #tpu.memory_space<vmem>>) target_semaphore(%run_scoped3A_58 : memref<!tpu.dma_semaphore, #tpu.memory_space<semaphore_mem>>)
        %dma_wait3A = arith.constant 0 : i32
        %dma_wait3A_64 = tpu.memref_slice %arg15[%add3A_54, %run_scoped3A_55, %dma_wait3A] : memref<16x2x8704xf32, #tpu.memory_space<vmem_shared>> -> memref<1x1x8704xf32, #tpu.memory_space<vmem_shared>>
        %dma_wait3A_65 = tpu.memref_squeeze %dma_wait3A_64 : memref<1x1x8704xf32, #tpu.memory_space<vmem_shared>> -> memref<8704xf32, #tpu.memory_space<vmem_shared>>
        %dma_wait3A_66 = arith.constant 0 : i32
        %dma_wait3A_67 = tpu.memref_slice %arg15[%add3A_54, %run_scoped3A_55, %dma_wait3A_66] : memref<16x2x8704xf32, #tpu.memory_space<vmem_shared>> -> memref<1x1x8704xf32, #tpu.memory_space<vmem_shared>>
        %dma_wait3A_68 = tpu.memref_squeeze %dma_wait3A_67 : memref<1x1x8704xf32, #tpu.memory_space<vmem_shared>> -> memref<8704xf32, #tpu.memory_space<vmem_shared>>
        tpu.wait_dma2 semaphore(%run_scoped3A_58 : memref<!tpu.dma_semaphore, #tpu.memory_space<semaphore_mem>>) src(%dma_wait3A_68 : memref<8704xf32, #tpu.memory_space<vmem_shared>>) dst(%arg14 : memref<8704xf32, #tpu.memory_space<vmem>>)
        tpu.yield
      }) : () -> ()
      %parallel_loop3A = arith.constant 0 : i32
      %parallel_loop3A_56 = arith.constant 544 : i32
      %parallel_loop3A_57 = arith.constant 1 : i32
      scf.for %parallel_loop3A_58 = %parallel_loop3A to %parallel_loop3A_56 step %parallel_loop3A_57  : i32 {
        %parallel_loop3A_59 = arith.constant 16 : i32
        %parallel_loop3A_60 = arith.muli %parallel_loop3A_58, %parallel_loop3A_59 : i32
        %parallel_loop3A_61 = arith.constant 34816 : i32
        %parallel_loop3A_62 = arith.addi %parallel_loop3A_61, %parallel_loop3A_60 : i32
        %parallel_loop3A_63 = arith.constant 16 : i32
        %parallel_loop3A_64 = arith.muli %parallel_loop3A_58, %parallel_loop3A_63 : i32
        %parallel_loop3A_65 = arith.index_cast %parallel_loop3A_64 : i32 to index
        %parallel_loop3A_66 = tpu.vector_load %arg14[%parallel_loop3A_65] {strides = array<i32>} : memref<8704xf32, #tpu.memory_space<vmem>>, vector<16xf32>,
        %parallel_loop3A_67 = arith.index_cast %parallel_loop3A_62 : i32 to index
        %parallel_loop3A_68 = tpu.vector_load %arg12[%parallel_loop3A_67] {strides = array<i32>} : memref<52224xf32, #tpu.memory_space<vmem>>, vector<16xf32>,
        tpu.vector_store %arg12[%parallel_loop3A_67], %parallel_loop3A_66 {add = true, strides = array<i32>} : memref<52224xf32, #tpu.memory_space<vmem>>, vector<16xf32>,
      } {sc.loop_unroll_factor = 4 : i64, sc.parallel_access}
    } else {
    }
    %mul3A_34 = arith.constant 262144 : i32
    %mul3A_35 = arith.muli %add3A, %mul3A_34 : i32
    %mul3A_36 = arith.constant 512 : i32
    %mul3A_37 = arith.muli %mul3A_4, %mul3A_36 : i32
    %add3A_38 = arith.addi %mul3A_35, %mul3A_37 : i32
    %scan3A_39 = arith.constant 0 : i32
    %scan3A_40 = arith.constant 0 : i32
    %scan3A_41 = arith.constant 64 : i32
    %scan3A_42 = arith.addi %scan3A_40, %scan3A_41 : i32
    %scan3A_43 = arith.constant 1 : i32
    %scan3A_44 = scf.for %scan3A_53 = %scan3A_40 to %scan3A_42 step %scan3A_43 iter_args(%scan3A_54 = %scan3A_39) -> (i32)  : i32 {
      %add3A_55 = arith.constant 16 : i32
      %add3A_56 = arith.addi %add3A_55, %scan3A_53 : i32
      %mul3A_57 = arith.constant 544 : i32
      %mul3A_58 = arith.muli %add3A_56, %mul3A_57 : i32
      %add3A_59 = arith.constant 16 : i32
      %add3A_60 = arith.addi %mul3A_58, %add3A_59 : i32
      %mul3A_61 = arith.constant 512 : i32
      %mul3A_62 = arith.muli %scan3A_53, %mul3A_61 : i32
      %add3A_63 = arith.addi %add3A_38, %mul3A_62 : i32
      %dma_start3A = tpu.memref_slice %arg12[%add3A_60] : memref<52224xf32, #tpu.memory_space<vmem>> -> memref<512xf32, #tpu.memory_space<vmem>>
      %dma_start3A_64 = tpu.memref_slice %arg5[%add3A_63] : memref<1048576xf32, #tpu.memory_space<hbm>> -> memref<512xf32, #tpu.memory_space<hbm>>
      %dma_start3A_65 = tpu.memref_slice %arg5[%add3A_63] : memref<1048576xf32, #tpu.memory_space<hbm>> -> memref<512xf32, #tpu.memory_space<hbm>>
      %dma_start3A_66 = tpu.memref_slice %arg12[%add3A_60] : memref<52224xf32, #tpu.memory_space<vmem>> -> memref<512xf32, #tpu.memory_space<vmem>>
      tpu.enqueue_dma source(%dma_start3A_66 : memref<512xf32, #tpu.memory_space<vmem>>) target(%dma_start3A_65 : memref<512xf32, #tpu.memory_space<hbm>>) target_semaphore(%arg18 : memref<!tpu.dma_semaphore, #tpu.memory_space<semaphore_mem>>)
      %scan3A_67 = arith.constant 0 : i32
      scf.yield %scan3A_67 : i32
    }
    %scan3A_45 = arith.constant 64 : i32
    %scan3A_46 = arith.constant 0 : i32
    %scan3A_47 = arith.constant 0 : i32
    %scan3A_48 = arith.constant 64 : i32
    %scan3A_49 = arith.addi %scan3A_47, %scan3A_48 : i32
    %scan3A_50 = arith.constant 1 : i32
    %scan3A_51 = scf.for %scan3A_53 = %scan3A_47 to %scan3A_49 step %scan3A_50 iter_args(%scan3A_54 = %scan3A_46) -> (i32)  : i32 {
      %mul3A_55 = arith.constant 512 : i32
      %mul3A_56 = arith.muli %scan3A_53, %mul3A_55 : i32
      %add3A_57 = arith.addi %add3A_38, %mul3A_56 : i32
      %dma_wait3A = arith.constant 16 : i32
      %dma_wait3A_58 = tpu.memref_slice %arg12[%dma_wait3A] : memref<52224xf32, #tpu.memory_space<vmem>> -> memref<512xf32, #tpu.memory_space<vmem>>
      %dma_wait3A_59 = tpu.memref_slice %arg5[%add3A_57] : memref<1048576xf32, #tpu.memory_space<hbm>> -> memref<512xf32, #tpu.memory_space<hbm>>
      %dma_wait3A_60 = tpu.memref_slice %arg5[%add3A_57] : memref<1048576xf32, #tpu.memory_space<hbm>> -> memref<512xf32, #tpu.memory_space<hbm>>
      %dma_wait3A_61 = arith.constant 16 : i32
      %dma_wait3A_62 = tpu.memref_slice %arg12[%dma_wait3A_61] : memref<52224xf32, #tpu.memory_space<vmem>> -> memref<512xf32, #tpu.memory_space<vmem>>
      tpu.wait_dma2 semaphore(%arg18 : memref<!tpu.dma_semaphore, #tpu.memory_space<semaphore_mem>>) src(%dma_wait3A_62 : memref<512xf32, #tpu.memory_space<vmem>>) dst(%dma_wait3A_60 : memref<512xf32, #tpu.memory_space<hbm>>)
      %scan3A_63 = arith.constant 0 : i32
      scf.yield %scan3A_63 : i32
    }
    %scan3A_52 = arith.constant 64 : i32
    return
  }
}

</mosaic_0001>

<sc_bundles>
// kernel: _warp_adjoint_sc.3.cloned.1.call-start
scs
__scs_entry_jumppad:
0x0: {  	(pc) =	sbr.rel $0x88, $3  }
0x1: {  	(tag) =	ssettag $0x0;
	lr =	simm.s32 $0x1  }
0x2: {  	[smem:$0x3F9E] =	sst lr;
	_ =	strace $0xD0000000  }
0x3: {  	_ = 	snop  }
0x4: {  	_ = 	snop  }
0x5: {  	_ = 	snop  }
0x6: {  	_ = 	snop  }
0x7: {  	_ = 	snop  }
__scs_overlays_trampoline_lowered:
0x8: {  	[smem:$0x3FAD] =	sst s0  }
0x9: {  	[smem:$0x3FAE] =	sst s1  }
0xa: {  	[smem:$0x3FAF] =	sst s2  }
0xb: {  	[smem:$0x3FB0] =	sst s3  }
0xc: {  	[smem:$0x3FB1] =	sst s4  }
0xd: {  	[smem:$0x3FB2] =	sst s5  }
0xe: {  	[smem:$0x3FB3] =	sst s6  }
0xf: {  	[smem:$0x3FB4] =	sst s7  }
0x10: {  	[smem:$0x3FB5] =	sst s8  }
0x11: {  	[smem:$0x3FB6] =	sst s9;
	s0 =	simm.s32 @!p0 $0x0  }
0x12: {  	s1 =	sld [smem:$0x3F9C];
	s0 =	simm.s32 @p0 $0x1  }
0x13: {  	[smem:$0x3FB7] =	sst s0;
	s0 =	simm.s32 @!p1 $0x0  }
0x14: {  	s2 =	sld [smem:$0x3F9B];
	s0 =	simm.s32 @p1 $0x1  }
0x15: {  	[smem:$0x3FB8] =	sst s0;
	s0 =	simm.s32 @!p2 $0x0  }
0x16: {  	s3 =	sld [smem:$0x3FDB];
	s0 =	simm.s32 @p2 $0x1  }
0x17: {  	s4 =	simm.s32 $0x1BF5;
	[smem:$0x3FBA] =	sst s0  }
0x18: {  	s0 =	sld [smem:$0x3F9D];
	_ =	swait.ge [sflag:s4], $0x0  }
0x19: {  	s7 =	sld [smem:$0x3F9E]  }
0x1a: {  	s8 =	sadd.s32 $0xFFFFE003, lr  }
0x1b: {  	s9 =	sadd.s32 $0xFFFFFEF7, lr;
	s5 =	simm.s32 $0xFFFFFFFF;
	p2 =	slt.u32 s8, $0xFFFFF086  }
0x1c: {  	p1 =	slt.u32 s9, $0xF7A;
	s5 =	simm.s32 @!p2 $0x0  }
0x1d: {  	s5 =	simm.s32 @p1 $0x1;
	p0 =	seq.s32 s7, s2  }
0x1e: {  	s7 =	smul.u32 @!p0 $0xF7A, s2;
	p2 =	seq.s32 @!p0 s5, $0x0  }
0x1f: {  	s9 =	smul.u32 $0xF7A, s1;
	s8 =	simm.s32 @!p0 $0x1BF5;
	p2 =	por !p2, p0  }
0x20: {  	[sflag:s8] =	ssyncset.s32 @!p0 $0xFFFFF086;
	s6 =	sadd.s32 @!p0 s3, s7;
	s7 =	simm.s32 @!p0 $0x108  }
0x21: {  	s3 =	sadd.s32 s3, s9;
	s6 =	sadd.s32 @!p0 $0x88, s6;
	s7 =	simm.s32 @p2 $0x1082  }
0x22: {  	[simem:s7], [sflag:s8] =	dma.local @!p0 [hbm:s6], $0xF7A  }
0x23: {  	s9 =	sor.u32 $0xD0000000, s2;
	s6 =	simm.s32 $0x108;
	_ =	swait.ge @!p0 [sflag:s8], $0x0  }
0x24: {  	s3 =	sadd.s32 $0x88, s3;
	s6 =	simm.s32 @!p1 $0x1082;
	[sflag:s4] =	ssyncset.s32 $0xFFFFF086  }
0x25: {  	[simem:s6], [sflag:s4] =	dma.local [hbm:s3], $0xF7A  }
0x26: {  	[smem:$0x3F9E] =	sst s1;
	(tag) =	ssettag s2;
	_ =	strace s9  }
0x27: {  	s1 =	sld [smem:$0x3FAE]  }
0x28: {  	s2 =	sld [smem:$0x3FAF]  }
0x29: {  	s4 =	sld [smem:$0x3FB1]  }
0x2a: {  	p0 =	seq.s32 s5, $0x0;
	s5 =	sld [smem:$0x3FB2]  }
0x2b: {  	s6 =	sld [smem:$0x3FB3]  }
0x2c: {  	s7 =	sld [smem:$0x3FB4]  }
0x2d: {  	s3 =	simm.s32 $0x108;
	s8 =	sld [smem:$0x3FB5]  }
0x2e: {  	s3 =	simm.s32 @!p0 $0x1082;
	s9 =	sld [smem:$0x3FB6]  }
0x2f: {  	lr =	sadd.s32 s0, s3;
	s0 =	sld [smem:$0x3FAD]  }
0x30: {  	s3 =	sld [smem:$0x3FB0]  }
0x31: {  	[smem:$0x3FB9] =	sst s10  }
0x32: {  	s10 =	sld [smem:$0x3FB7];
	_ =	sdelay $0x3  }
0x33: {  	p0 =	seq.s32 s10, $0x1;
	s10 =	sld [smem:$0x3FB9];
	_ =	sdelay $0x3  }
0x34: {  	[smem:$0x3FB9] =	sst s10  }
0x35: {  	s10 =	sld [smem:$0x3FB8];
	_ =	sdelay $0x3  }
0x36: {  	p1 =	seq.s32 s10, $0x1;
	s10 =	sld [smem:$0x3FB9];
	_ =	sdelay $0x3  }
0x37: {  	[smem:$0x3FB9] =	sst s10  }
0x38: {  	s10 =	sld [smem:$0x3FBA]  }
0x39: {  	_ = 	snop;
	(pc) =	sbr.ind lr, $3  }
0x3a: {  	_ = 	snop  }
0x3b: {  	_ = 	snop  }
0x3c: {  	p2 =	seq.s32 s10, $0x1;
	s10 =	sld [smem:$0x3FB9]  }
0x3d: {  	_ =	shalt  }
0x3e: {  	_ =	shalt  }
0x3f: {  	_ =	shalt  }
0x40: {  	_ =	shalt  }
0x41: {  	_ =	shalt  }
0x42: {  	_ =	shalt  }
0x43: {  	_ =	shalt  }
0x44: {  	_ =	shalt  }
0x45: {  	_ =	shalt  }
0x46: {  	_ =	shalt  }
0x47: {  	_ =	shalt  }
0x48: {  	_ =	shalt  }
0x49: {  	_ =	shalt  }
0x4a: {  	_ =	shalt  }
0x4b: {  	_ =	shalt  }
0x4c: {  	_ =	shalt  }
0x4d: {  	_ =	shalt  }
0x4e: {  	_ =	shalt  }
0x4f: {  	_ =	shalt  }
0x50: {  	_ =	shalt  }
0x51: {  	_ =	shalt  }
0x52: {  	_ =	shalt  }
0x53: {  	_ =	shalt  }
0x54: {  	_ =	shalt  }
0x55: {  	_ =	shalt  }
0x56: {  	_ =	shalt  }
0x57: {  	_ =	shalt  }
0x58: {  	_ =	shalt  }
0x59: {  	_ =	shalt  }
0x5a: {  	_ =	shalt  }
0x5b: {  	_ =	shalt  }
0x5c: {  	_ =	shalt  }
0x5d: {  	_ =	shalt  }
0x5e: {  	_ =	shalt  }
0x5f: {  	_ =	shalt  }
0x60: {  	_ =	shalt  }
0x61: {  	_ =	shalt  }
0x62: {  	_ =	shalt  }
0x63: {  	_ =	shalt  }
0x64: {  	_ =	shalt  }
0x65: {  	_ =	shalt  }
0x66: {  	_ =	shalt  }
0x67: {  	_ =	shalt  }
0x68: {  	_ =	shalt  }
0x69: {  	_ =	shalt  }
0x6a: {  	_ =	shalt  }
0x6b: {  	_ =	shalt  }
0x6c: {  	_ =	shalt  }
0x6d: {  	_ =	shalt  }
0x6e: {  	_ =	shalt  }
0x6f: {  	_ =	shalt  }
0x70: {  	_ =	shalt  }
0x71: {  	_ =	shalt  }
0x72: {  	_ =	shalt  }
0x73: {  	_ =	shalt  }
0x74: {  	_ =	shalt  }
0x75: {  	_ =	shalt  }
0x76: {  	_ =	shalt  }
0x77: {  	_ =	shalt  }
0x78: {  	_ =	shalt  }
0x79: {  	_ =	shalt  }
0x7a: {  	_ =	shalt  }
0x7b: {  	_ =	shalt  }
0x7c: {  	_ =	shalt  }
0x7d: {  	_ =	shalt  }
0x7e: {  	_ =	shalt  }
0x7f: {  	_ =	shalt  }
0x80: {  	_ =	shalt  }
0x81: {  	_ =	shalt  }
0x82: {  	_ =	shalt  }
0x83: {  	_ =	shalt  }
0x84: {  	_ =	shalt  }
0x85: {  	_ =	shalt  }
0x86: {  	_ =	shalt  }
0x87: {  	_ =	shalt  }
.Lfunc_end0:
.L_simem_size_0:
called_computation_lowered:
.L_overlay_start_0:
0x88: {  	s2 =	sld [smem:$0x3FD9]  }
0x89: {  	s3 =	sld [smem:$0x3FFE];
	_ =	sdelay $0x1  }
0x8a: {  	s1 =	srdreg.scid  }
0x8b: {  	s0 =	sand.u32 $0x1, s1  }
0x8c: {  	s18 =	sshll.u32 s0, $0xA;
	s2 =	sadd.s32 s3, s2  }
0x8d: {  	s2 =	sadd.s32 s2, s18  }
0x8e: {  	[smem:$0x3FC5] =	sst s2  }
0x8f: {  	_ = 	snop  }
0x90: {  	s2 =	sld [smem:$0x3FC9]  }
0x91: {  	s19 =	sld [smem:$0x3FC8]  }
0x92: {  	s4 =	sld [smem:$0x3FC7]  }
0x93: {  	s5 =	sld [smem:$0x3FD0];
	(tm) =	ssettm $0x1  }
0x94: {  	s6 =	sld [smem:$0x3FFB];
	_ =	sdelay $0x3  }
0x95: {  	_ =	strace s6  }
0x96: {  	s6 =	sld [smem:$0x3FFC];
	_ =	sdelay $0x3  }
0x97: {  	_ =	strace s6  }
0x98: {  	s6 =	sld [smem:$0x3FFD];
	_ =	sdelay $0x3  }
0x99: {  	_ =	strace s6  }
0x9a: {  	_ =	strace $0x8FFFFFFF  }
0x9b: {  	s20 =	sld [smem:$0x3FDB];
	_ =	sdelay $0x1  }
0x9c: {  	s7 =	simm.s32 $_scs_section_size  }
0x9d: {  	s8 =	simm.s32 $_size__tile_overlayer_lowered;
	s9 =	simm.s32 $_tile_overlayer_lowered  }
0x9e: {  	s23 =	simm.s32 $0x1BFF;
	s22 =	sshll.u32 s9, $0x1;
	s6 =	sadd.s32 s7, s20  }
0x9f: {  	s10 =	simm.s32 $0x0;
	s21 =	sshll.u32 s8, $0x1;
	s8 =	sadd.s32 s22, s6  }
0xa0: {  	[timem:s10], [sflag:s23] =	dma.local [hbm:s8], s21  }
0xa1: {  	_ =	swait.ge [sflag:s23], s21  }
0xa2: {  	s7 =	ssub.s32 $0x0, s21;
	[sflag:s23] =	ssyncset.done $0x0  }
0xa3: {  	[sflag:s23] =	ssyncadd.s32 s7;
	_ =	sdelay $0x1  }
0xa4: {  	s24 =	simm.s32 $0x1B8B  }
0xa5: {  	_ =	swait.ge [sflag:s24], $0x1  }
0xa6: {  	[sflag:s24] =	ssyncset.done $0x0  }
0xa7: {  	s25 =	simm.s32 $0x1B8E;
	[sflag:s24] =	ssyncadd.s32 $0xFFFFFFFF  }
0xa8: {  	s26 =	simm.s32 $execute0_lowered;
	[smem:$0x3FD2] =	sst s25  }
0xa9: {  	s7 =	sshll.u32 s26, $0x1;
	_ =	strace $0x80000046;
	[dreg:$0x1] =	wrdreg $0xFFFFFFFF  }
0xaa: {  	s28 =	simm.s32 $_size_execute0_lowered;
	s6 =	sadd.s32 s6, s7;
	[dreg:$0x0] =	wrdreg $0x0  }
0xab: {  	s7 =	sshll.u32 s28, $0x1;
	[dreg:$0x2] =	wrdreg s6  }
0xac: {  	[dreg:$0x3] =	wrdreg s7  }
0xad: {  	[dreg:$0x4] =	wrdreg $0xC0  }
0xae: {  	_ =	task [dreg:s10], $0x5FFFF  }
0xaf: {  	[dreg:$0x1] =	wrdreg $0xFFFFFFFF  }
0xb0: {  	[dreg:$0x0] =	wrdreg $0x60  }
0xb1: {  	[dreg:$0x2] =	wrdreg s2  }
0xb2: {  	[dreg:$0x3] =	wrdreg s19  }
0xb3: {  	[dreg:$0x4] =	wrdreg s4  }
0xb4: {  	[dreg:$0x5] =	wrdreg s5  }
0xb5: {  	[dreg:$0x6] =	wrdreg $0x150000  }
0xb6: {  	[dreg:$0x7] =	wrdreg $0x9  }
0xb7: {  	_ =	task.clear_ibuf [dreg:s10], $0x8FFFF;
	_ =	strace $0x90000046  }
0xb8: {  	s29 =	simm.s32 $0x9;
	_ =	strace $0x80000048  }
0xb9: {  	_ =	swait.ge [sflag:s29], $0x1  }
0xba: {  	[sflag:s29] =	ssyncadd.s32 $0xFFFFFFFF  }
0xbb: {  	_ =	strace $0x90000048  }
0xbc: {  	_ =	sfence  }
0xbd: {  	s30 =	sld [smem:$0x0];
	_ =	sdelay $0x2  }
0xbe: {  	s31 =	sshll.u32 s1, $0xD;
	s1 =	sshrl.u32 s1, $0x2  }
0xbf: {  	s3 =	sand.u32 $0x4000, s31;
	s1 =	sadd.s32 s1, s30  }
0xc0: {  	s0 =	sor.u32 s3, s0;
	s1 =	sshll.u32 s1, $0x11  }
0xc1: {  	s0 =	sor.u32 s1, s0  }
0xc2: {  	s0 =	sadd.s32 $0x8F2B, s0  }
0xc3: {  	[sflag:s0] =	ssyncadd.remote.s32 $0x1  }
0xc4: {  	_ =	sfence.sel $0xFFFF  }
0xc5: {  	[dreg:$0x0] =	wrdreg $0xFFFFFFFF;
	(pc) =	sbr.abs _section_cstart, $3  }
0xc6: {  	[dreg:$0x1] =	wrdreg $0xFFFFFFFF  }
0xc7: {  	_ =	task.clear_ibuf [dreg:s10], $0x2FFFF;
	_ =	strace $0x9FFFFFFF  }
0xc8: {  	(tm) =	ssettm $0x7FFFFFFF  }
0xc9: {  	_ =	shalt  }
tec
execute0_lowered:
.L_overlay_start_1:
0x0: {  	(tag) =	ssettag $0x1  }
0x1: {  	s0 =	rddreg [dreg:$0x0]  }
0x2: {  	s2 =	rddreg [dreg:$0x1]  }
0x3: {  	s3 =	rddreg [dreg:$0x2]  }
0x4: {  	s1 =	rddreg [dreg:$0x3]  }
0x5: {  	s4 =	srdreg.scid;
	s5 =	rddreg [dreg:$0x4]  }
0x6: {  	s12 =	stileid.u32;
	s16 =	simm.s32 $0x3000;
	s17 =	simm.s32 $0x4000  }
0x7: {  	s18 =	simm.s32 $0x5000;
	s19 =	simm.s32 $0x1;
	s28 =	simm.s32 $0x3  }
0x8: {  	s8 =	sand.u32 $0x1, s4;
	s4 =	simm.s32 $0x0;
	s10 =	sshrl.u32 s12, $0x3  }
0x9: {  	s11 =	sand.u32 $0x7, s12;
	s20 =	smul.u32 $0x11000, s12;
	s6 =	ssub.s32 $0x2, s8  }
0xa: {  	[smem:$0x7FF] =	sst s4;
	s21 =	sshll.u32 s10, $0x15;
	s13 =	sshll.u32 s8, $0x16  }
0xb: {  	s22 =	sshll.u32 s11, $0xF;
	s26 =	sshll.u32 s8, $0x10;
	s30 =	sshll.u32 s10, $0xF  }
0xc: {  	s31 =	sshll.u32 s11, $0xC;
	p0 =	seq.s32 s11, $0x0;
	p1 =	seq.s32 s11, $0x7  }
0xd: {  	s7 =	sshrl.u32 s6, $0x1;
	_ =	strace $0x80000047;
	s12 =	sor.u32 s21, s13  }
0xe: {  	s14 =	sshrl.u32 s20, $0x2;
	s1 =	sadd.s32 s26, s1;
	s20 =	simm.s32 $0x6000  }
0xf: {  	s21 =	simm.s32 $0x2;
	s9 =	ssub.s32 s6, s7;
	s23 =	sadd.s32 s14, s5  }
0x10: {  	s6 =	sshll.u32 s11, $0x6;
	s5 =	sadd.s32 $0x80, s23;
	[dreg:$0x6] =	wrdreg s23  }
0x11: {  	s7 =	sor.u32 s22, s12;
	s25 =	sadd.s32 $0xFFFFBC80, s23;
	[dreg:$0x7] =	wrdreg s5  }
0x12: {  	s1 =	sadd.s32 s30, s1;
	s29 =	sadd.s32 $0x4400, s23;
	[dreg:$0x8] =	wrdreg s25  }
0x13: {  	v1 =	vimm.f32 $0.0e+00;
	s24 =	sadd.s32 $0xFFFFFFF0, s6;
	s9 =	smax.u32 s9, $0x1;
	[dreg:$0x9] =	wrdreg s29  }
0x14: {  	v2 =	vlaneseq.u32;
	v3 =	vimm.s32 $0x0;
	s13 =	sadd.s32 s31, s1;
	[dreg:$0xa] =	wrdreg s9;
	v0 =	vmov s24;
	s5 =	simm.s32 $0x0  }
.LBB2_1:
0x15: {  	[dreg:$0xb] =	wrdreg s5;
	s1 =	simm.s32 $0x0  }
.LBB2_2:
0x16: {  	p2 =	sne.s32 s1, $0x32FC0  }
.Ltmp0:
0x17: {  	_ = 	snop;
	(pc) =	sbr.rel @p2 .LBB2_2-.Ltmp0, $3  }
0x18: {  	_ =	sdelay $0x1  }
0x19: {  	s5 =	sshra.s32 s1, $0x2  }
0x1a: {  	s1 =	sadd.s32 $0x40, s1;
	[tilespmem:s5+$0x6000] =	vst v1  }
0x1b: {  	s30 =	simm.s32 $0x0  }
0x1c: {  	v4 =	vor.u32 s30, v2  }
0x1d: {  	v4 =	vcvt.s32.f32 v4  }
0x1e: {  	s1 =	simm.s32 $0x12C00  }
0x1f: {  	s5 =	simm.s32 $0x10;
	[tilespmem:s1+$0x0] =	vst v4  }
.LBB2_4:
0x20: {  	p2 =	sne.s32 s5, $0x1F0  }
.Ltmp1:
0x21: {  	_ = 	snop;
	(pc) =	sbr.rel @p2 .LBB2_4-.Ltmp1, $4  }
0x22: {  	v4 =	vor.u32 s5, v2  }
0x23: {  	v4 =	vcvt.s32.f32 v4  }
0x24: {  	s1 =	sadd.s32 $0x10, s1  }
0x25: {  	s5 =	sadd.s32 $0x10, s5;
	[tilespmem:s1+$0x0] =	vst v4  }
.LBB2_5:
0x26: {  	s1 =	sshll.u32 s30, $0x12  }
0x27: {  	s31 =	sadd.s32 s7, s1  }
0x28: {  	s5 =	sshrl.u32 s31, $0x3  }
0x29: {  	s1 =	simm.s32 $0x0;
	s8 =	sadd.s32 s0, s5  }
0x2a: {  	[tilespmem:s1], [sflag:$0x1] =	stream.linear.gather [hbm4b:s8+s1], $0x1000, $0x38;
	[tilespmem:$0x19400] =	vst v63  }
0x2b: {  	s9 =	simm.s32 $0x1000;
	s26 =	sadd.s32 s2, s5  }
0x2c: {  	[tilespmem:s9], [sflag:$0x1] =	stream.linear.gather [hbm4b:s26+s1], $0x1000, $0x38;
	[tilespmem:$0x19400] =	vst v63  }
0x2d: {  	s29 =	simm.s32 $0x2000;
	s5 =	sadd.s32 s3, s5  }
0x2e: {  	[tilespmem:s29], [sflag:$0x1] =	stream.linear.gather [hbm4b:s5+s1], $0x1000, $0x38;
	[tilespmem:$0x19400] =	vst v63  }
0x2f: {  	s5 =	sor.u32 $0x2000, s31  }
.LBB2_6:
0x30: {  	s10 =	sshll.u32 s1, $0xD  }
0x31: {  	s8 =	sor.u32 s10, s31  }
0x32: {  	s8 =	sshrl.u32 s8, $0x3  }
0x33: {  	s8 =	sor.u32 $0x200, s8  }
0x34: {  	s9 =	sadd.s32 s0, s8  }
0x35: {  	[tilespmem:s16], [sflag:$0x2] =	stream.linear.gather [hbm4b:s9+s4], $0x1000, $0x38;
	[tilespmem:$0x19400] =	vst v63  }
0x36: {  	s24 =	sadd.s32 s2, s8  }
0x37: {  	[tilespmem:s17], [sflag:$0x2] =	stream.linear.gather [hbm4b:s24+s4], $0x1000, $0x38;
	[tilespmem:$0x19400] =	vst v63  }
0x38: {  	s8 =	sadd.s32 s3, s8  }
0x39: {  	[tilespmem:s18], [sflag:$0x2] =	stream.linear.gather [hbm4b:s8+s4], $0x1000, $0x38;
	[tilespmem:$0x19400] =	vst v63  }
0x3a: {  	_ =	swait.ge [sflag:s19], $0x1000  }
0x3b: {  	[sflag:s19] =	ssyncset.done $0x0  }
0x3c: {  	[sflag:s19] =	ssyncadd.s32 $0xFFFFF000  }
0x3d: {  	_ =	swait.ge [sflag:s19], $0x1000  }
0x3e: {  	[sflag:s19] =	ssyncset.done $0x0  }
0x3f: {  	[sflag:s19] =	ssyncadd.s32 $0xFFFFF000  }
0x40: {  	_ =	swait.ge [sflag:s19], $0x1000  }
0x41: {  	[sflag:s19] =	ssyncset.done $0x0  }
0x42: {  	s26 =	simm.s32 $0x2010;
	[sflag:s19] =	ssyncadd.s32 $0xFFFFF000  }
0x43: {  	s11 =	simm.s32 $0x20;
	s9 =	simm.s32 $0x1010;
	v4 =	vld [tilespmem:s26+$0x10]  }
0x44: {  	s25 =	sshll.u32 s1, $0x4;
	s12 =	sand.u32 $0x1F0, s11;
	v6 =	vld [tilespmem:s9+$0x10]  }
0x45: {  	s29 =	simm.s32 $0x0;
	s25 =	sadd.s32 s6, s25;
	v7 =	vld [tilespmem:s12+$0x12C00]  }
0x46: {  	s8 =	sor.u32 s25, s29;
	v5 =	vld [tilespmem:s26+$0xFFFFFFF0]  }
0x47: {  	s22 =	simm.s32 $0x0;
	s8 =	scvt.s32.f32 s8;
	v8 =	vld [tilespmem:s26+$0x0]  }
0x48: {  	s15 =	simm.s32 $0x0;
	s14 =	sor.u32 s25, s22  }
0x49: {  	s22 =	sor.u32 s25, s15;
	s12 =	scvt.s32.f32 s14;
	v4 =	vadd.f32 s8, v4  }
0x4a: {  	s8 =	scvt.s32.f32 s22;
	v6 =	vadd.f32 v7, v6  }
0x4b: {  	v5 =	vadd.f32 s12, v5;
	v9 =	vtrunc.f32 v4  }
0x4c: {  	v8 =	vadd.f32 s8, v8;
	v13 =	vtrunc.f32 v6;
	vm0 =	vlt.f32 v4, v9  }
0x4d: {  	v7 =	vcvt.f32.s32 v9;
	v9 =	vtrunc.f32 v5;
	v10 =	vsel vm0, $0xFFFFFFFF, v3  }
0x4e: {  	s23 =	simm.s32 $0x0;
	v16 =	vld [tilespmem:s9+$0xFFFFFFF0];
	s12 =	simm.s32 $0x10;
	v11 =	vcvt.f32.s32 v9;
	vm0 =	vlt.f32 v6, v13;
	vm2 =	vlt.f32 v5, v9  }
0x4f: {  	v12 =	vld [tilespmem:s12+$0x10];
	s8 =	sand.u32 $0x1F0, s23;
	v9 =	vtrunc.f32 v8;
	v7 =	vadd.s32 v7, v10;
	v10 =	vcvt.f32.s32 v13  }
0x50: {  	v14 =	vld [tilespmem:s8+$0x12C00];
	v15 =	vsel vm0, $0xFFFFFFFF, v3;
	v17 =	vcvt.f32.s32 v9  }
0x51: {  	s24 =	simm.s32 $0x10;
	v13 =	vcvt.s32.f32 v7;
	v7 =	vsub.s32 v7, v0;
	v10 =	vadd.s32 v10, v15  }
0x52: {  	s29 =	sand.u32 $0x1F0, s24;
	vm3 =	vlt.f32 v8, v9;
	v15 =	vld [tilespmem:s9+$0x0];
	vm0 =	vlt.u32 v7, $0x60;
	v9 =	vadd.s32 $0x10, v10  }
0x53: {  	v18 =	vmul.u32 $0x220, v7;
	v4 =	vsub.f32 v4, v13;
	v13 =	vld [tilespmem:s29+$0x12C00];
	vm1 =	vgt.s32 v9, $0x0  }
0x54: {  	v7 =	vadd.s32 $0x1, v7;
	v10 =	vcvt.s32.f32 v10;
	v9 =	vnsel vm1, $0x0, v9  }
0x55: {  	v14 =	vadd.f32 v14, v16;
	v4 =	vmul.f32 v4, v12;
	v9 =	vmin.u32 v9, $0x21E  }
0x56: {  	v6 =	vsub.f32 v6, v10;
	vm1 =	vlt.u32 v7, $0x60;
	v9 =	vadd.s32 v18, v9  }
0x57: {  	v10 =	vsub.f32 v12, v4;
	v12 =	vsel vm2, $0xFFFFFFFF, v3;
	v60 =	vadd.s32 $0x1, v9  }
0x58: {  	v13 =	vadd.f32 v13, v15;
	v15 =	vmul.f32 v6, v4;
	v61 =	vadd.s32 v11, v12  }
0x59: {  	v11 =	vsel vm3, $0xFFFFFFFF, v3;
	v23 =	vadd.s32 $0x220, v9;
	v7 =	vmul.f32 v10, v6  }
0x5a: {  	v62 =	vadd.s32 $0x221, v9;
	v6 =	vtrunc.f32 v14;
	v12 =	vcvt.s32.f32 v61  }
0x5b: {  	v19 =	vld [tilespmem:s12+$0xFFFFFFF0];
	v17 =	vadd.s32 v17, v11;
	v11 =	vtrunc.f32 v13;
	vm2 =	vlt.f32 v14, v6  }
0x5c: {  	v21 =	vld [tilespmem:s12+$0x0];
	v6 =	vcvt.f32.s32 v6;
	v63 =	vsub.f32 v4, v15;
	v20 =	vcvt.f32.s32 v11  }
0x5d: {  	vm3 =	vlt.f32 v13, v11;
	v5 =	vsub.f32 v5, v12;
	v12 =	vcvt.s32.f32 v17  }
0x5e: {  	v11 =	vsel vm2, $0xFFFFFFFF, v3;
	v10 =	vsub.f32 v10, v7;
	v22 =	vsel vm3, $0xFFFFFFFF, v3  }
0x5f: {  	v6 =	vadd.s32 v6, v11;
	v11 =	vadd.s32 v20, v22;
	v4 =	vsub.f32 v8, v12  }
0x60: {  	v8 =	vcvt.s32.f32 v6;
	v24 =	vadd.s32 $0x10, v6;
	v6 =	vmul.f32 v5, v19;
	[tilespmem:v9+s20+$0x0] =	vst.idx.add.f32.msk vm0, v10  }
0x61: {  	v5 =	vcvt.s32.f32 v11;
	v12 =	vadd.s32 $0x10, v11;
	[tilespmem:v60+s20+$0x0] =	vst.idx.add.f32.msk vm0, v7;
	v4 =	vmul.f32 v4, v21  }
0x62: {  	v7 =	vsub.s32 v61, v0;
	v11 =	vsub.f32 v14, v8;
	v9 =	vsub.f32 v19, v6  }
0x63: {  	vm2 =	vgt.s32 v24, $0x0;
	[tilespmem:v23+s20+$0x0] =	vst.idx.add.f32.msk vm1, v63;
	v10 =	vsub.f32 v13, v5;
	v8 =	vsub.f32 v21, v4  }
0x64: {  	s8 =	simm.s32 $0x0;
	vm0 =	vgt.s32 v12, $0x0;
	[tilespmem:v62+s20+$0x0] =	vst.idx.add.f32.msk vm1, v15;
	v13 =	vnsel vm2, $0x0, v24;
	v5 =	vsub.s32 v17, v0  }
.LBB2_7:
0x65: {  	v14 =	vmul.f32 v9, v11;
	v12 =	vnsel vm0, $0x0, v12;
	v15 =	vmul.f32 v8, v10;
	s22 =	smov.u32 s8;
	s8 =	sadd.s32 $0x3, s8  }
0x66: {  	v11 =	vmul.f32 v11, v6;
	v16 =	vmul.u32 $0x220, v7;
	v10 =	vmul.f32 v10, v4;
	s26 =	sadd.s32 $0x30, s26;
	s23 =	sshrl.u32 s8, $0x5  }
0x67: {  	v13 =	vmin.u32 v13, $0x21E;
	v18 =	vmul.u32 $0x220, v5;
	s24 =	sadd.s32 $0x5, s22;
	v12 =	vmin.u32 v12, $0x21E;
	s23 =	sor.u32 s25, s23;
	v17 =	vld [tilespmem:s26+$0x10]  }
0x68: {  	s11 =	sadd.s32 $0x30, s11;
	s9 =	sadd.s32 $0x30, s9;
	s24 =	sshrl.u32 s24, $0x5;
	v13 =	vadd.s32 v16, v13;
	v9 =	vsub.f32 v9, v14;
	v8 =	vsub.f32 v8, v15;
	v19 =	vld [tilespmem:s26+$0xFFFFFFF0]  }
0x69: {  	s29 =	sadd.s32 $0xFFFFFFE0, s11;
	s14 =	sand.u32 $0x1F0, s11;
	v6 =	vsub.f32 v6, v11;
	v12 =	vadd.s32 v18, v12;
	v4 =	vsub.f32 v4, v10;
	s24 =	sor.u32 s25, s24;
	v16 =	vld [tilespmem:s9+$0x10]  }
0x6a: {  	v20 =	vadd.s32 $0x1, v7;
	v22 =	vadd.s32 $0x1, v5;
	s15 =	sadd.s32 $0xFFFFFFF0, s11;
	s29 =	sand.u32 $0x1F0, s29;
	v21 =	vadd.s32 $0x220, v13;
	v18 =	vld [tilespmem:s14+$0x12C00];
	s14 =	scvt.s32.f32 s24  }
0x6b: {  	s22 =	sadd.s32 $0x4, s22;
	s15 =	sand.u32 $0x1F0, s15;
	s23 =	scvt.s32.f32 s23;
	v24 =	vadd.s32 $0x1, v13;
	v25 =	vadd.s32 $0x221, v13;
	v26 =	vadd.s32 $0x220, v12;
	v23 =	vld [tilespmem:s26+$0x0]  }
0x6c: {  	p2 =	slt.u32 s8, $0xFC;
	s22 =	sshrl.u32 s22, $0x5;
	v28 =	vadd.s32 $0x1, v12;
	v29 =	vadd.s32 $0x221, v12;
	v27 =	vld [tilespmem:s29+$0x12C00];
	v17 =	vadd.f32 s14, v17  }
0x6d: {  	vm2 =	vlt.u32 v20, $0x60;
	vm0 =	vlt.u32 v22, $0x60;
	s14 =	sor.u32 s25, s22;
	v19 =	vadd.f32 s23, v19;
	v30 =	vld [tilespmem:s15+$0x12C00]  }
0x6e: {  	vm4 =	vlt.u32 v7, $0x60;
	vm1 =	vlt.u32 v5, $0x60;
	s14 =	scvt.s32.f32 s14;
	v20 =	vld [tilespmem:s9+$0xFFFFFFF0];
	v22 =	vtrunc.f32 v17  }
0x6f: {  	v5 =	vld [tilespmem:s9+$0x0];
	v7 =	vadd.f32 v18, v16;
	v16 =	vcvt.f32.s32 v22;
	vm3 =	vlt.f32 v17, v22  }
0x70: {  	s12 =	sadd.s32 $0x30, s12;
	v18 =	vtrunc.f32 v19;
	v22 =	vadd.f32 s14, v23;
	v23 =	vsel vm3, $0xFFFFFFFF, v3  }
0x71: {  	v31 =	vcvt.f32.s32 v18;
	v32 =	vld [tilespmem:s12+$0x10];
	v33 =	vtrunc.f32 v7;
	v16 =	vadd.s32 v16, v23  }
0x72: {  	v23 =	vld [tilespmem:s12+$0xFFFFFFF0];
	v34 =	vcvt.f32.s32 v33;
	vm3 =	vlt.f32 v7, v33;
	v33 =	vcvt.s32.f32 v16  }
0x73: {  	vm5 =	vlt.f32 v19, v18;
	v35 =	vtrunc.f32 v22;
	v18 =	vld [tilespmem:s12+$0x0];
	v36 =	vsel vm3, $0xFFFFFFFF, v3  }
0x74: {  	v37 =	vcvt.f32.s32 v35;
	v34 =	vadd.s32 v34, v36;
	v17 =	vsub.f32 v17, v33;
	[tilespmem:v13+s20+$0x0] =	vst.idx.add.f32.msk vm4, v9  }
0x75: {  	vm3 =	vlt.f32 v22, v35;
	v9 =	vsub.s32 v16, v0;
	v13 =	vadd.s32 $0x10, v34;
	[tilespmem:v24+s20+$0x0] =	vst.idx.add.f32.msk vm4, v14  }
0x76: {  	v14 =	vcvt.s32.f32 v34;
	vm6 =	vgt.s32 v13, $0x0;
	v16 =	vmul.f32 v17, v32;
	[tilespmem:v21+s20+$0x0] =	vst.idx.add.f32.msk vm2, v6  }
0x77: {  	vm4 =	vlt.u32 v9, $0x60;
	v6 =	vnsel vm6, $0x0, v13;
	v13 =	vmul.u32 $0x220, v9;
	[tilespmem:v25+s20+$0x0] =	vst.idx.add.f32.msk vm2, v11  }
0x78: {  	v7 =	vsub.f32 v7, v14;
	v6 =	vmin.u32 v6, $0x21E;
	v11 =	vsub.f32 v32, v16;
	[tilespmem:v12+s20+$0x0] =	vst.idx.add.f32.msk vm1, v8  }
0x79: {  	v9 =	vadd.s32 $0x1, v9;
	v8 =	vadd.f32 v27, v20;
	v6 =	vadd.s32 v13, v6;
	[tilespmem:v28+s20+$0x0] =	vst.idx.add.f32.msk vm1, v15  }
0x7a: {  	vm1 =	vlt.u32 v9, $0x60;
	v9 =	vmul.f32 v11, v7;
	v12 =	vadd.s32 $0x1, v6;
	[tilespmem:v26+s20+$0x0] =	vst.idx.add.f32.msk vm0, v4  }
0x7b: {  	v5 =	vadd.f32 v30, v5;
	v4 =	vsel vm5, $0xFFFFFFFF, v3;
	v13 =	vadd.s32 $0x220, v6;
	[tilespmem:v29+s20+$0x0] =	vst.idx.add.f32.msk vm0, v10  }
0x7c: {  	v7 =	vmul.f32 v7, v16;
	v10 =	vsub.f32 v11, v9;
	v11 =	vadd.s32 $0x221, v6  }
0x7d: {  	v14 =	vtrunc.f32 v8;
	v15 =	vadd.s32 v31, v4;
	v4 =	vsel vm3, $0xFFFFFFFF, v3  }
0x7e: {  	v17 =	vcvt.s32.f32 v15;
	v20 =	vadd.s32 v37, v4;
	v4 =	vsub.f32 v16, v7;
	[tilespmem:v6+s20+$0x0] =	vst.idx.add.f32.msk vm4, v10  }
0x7f: {  	vm0 =	vlt.f32 v8, v14;
	v6 =	vtrunc.f32 v5;
	v10 =	vcvt.s32.f32 v20;
	[tilespmem:v12+s20+$0x0] =	vst.idx.add.f32.msk vm4, v9  }
0x80: {  	v9 =	vcvt.f32.s32 v14;
	v12 =	vcvt.f32.s32 v6;
	vm2 =	vlt.f32 v5, v6;
	[tilespmem:v13+s20+$0x0] =	vst.idx.add.f32.msk vm1, v4  }
0x81: {  	v6 =	vsub.f32 v19, v17;
	v4 =	vsel vm0, $0xFFFFFFFF, v3;
	v13 =	vsel vm2, $0xFFFFFFFF, v3;
	[tilespmem:v11+s20+$0x0] =	vst.idx.add.f32.msk vm1, v7  }
0x82: {  	v4 =	vadd.s32 v9, v4;
	v7 =	vadd.s32 v12, v13;
	v9 =	vsub.f32 v22, v10  }
.Ltmp2:
0x83: {  	v6 =	vmul.f32 v6, v23;
	v10 =	vcvt.s32.f32 v4;
	v13 =	vadd.s32 $0x10, v4;
	(pc) =	sbr.rel @p2 .LBB2_7-.Ltmp2, $4  }
0x84: {  	v14 =	vcvt.s32.f32 v7;
	v12 =	vadd.s32 $0x10, v7;
	v4 =	vmul.f32 v9, v18  }
0x85: {  	vm1 =	vgt.s32 v13, $0x0;
	v9 =	vsub.f32 v23, v6;
	v11 =	vsub.f32 v8, v10  }
0x86: {  	vm0 =	vgt.s32 v12, $0x0;
	v10 =	vsub.f32 v5, v14;
	v8 =	vsub.f32 v18, v4  }
0x87: {  	v7 =	vsub.s32 v15, v0;
	v13 =	vnsel vm1, $0x0, v13;
	v5 =	vsub.s32 v20, v0  }
0x88: {  	v14 =	vmul.u32 $0x220, v7;
	vm1 =	vlt.u32 v7, $0x60;
	v7 =	vadd.s32 $0x1, v7  }
0x89: {  	v13 =	vmin.u32 v13, $0x21E;
	v12 =	vnsel vm0, $0x0, v12;
	vm0 =	vlt.u32 v7, $0x60  }
0x8a: {  	v7 =	vmin.u32 v12, $0x21E;
	v12 =	vmul.u32 $0x220, v5;
	v13 =	vadd.s32 v14, v13  }
0x8b: {  	v15 =	vmul.f32 v9, v11;
	vm2 =	vlt.u32 v5, $0x60;
	v14 =	vadd.s32 $0x1, v13  }
0x8c: {  	v7 =	vadd.s32 v12, v7  }
0x8d: {  	v18 =	vmul.f32 v8, v10;
	v9 =	vsub.f32 v9, v15;
	v16 =	vadd.s32 $0x220, v13  }
0x8e: {  	v11 =	vmul.f32 v11, v6;
	v5 =	vadd.s32 $0x1, v5;
	v12 =	vadd.s32 $0x1, v7  }
0x8f: {  	vm3 =	vlt.u32 v5, $0x60;
	v8 =	vsub.f32 v8, v18;
	v17 =	vadd.s32 $0x221, v13;
	[tilespmem:v13+s20+$0x0] =	vst.idx.add.f32.msk vm1, v9  }
0x90: {  	v6 =	vsub.f32 v6, v11;
	v5 =	vadd.s32 $0x220, v7;
	[tilespmem:v14+s20+$0x0] =	vst.idx.add.f32.msk vm1, v15  }
0x91: {  	v9 =	vmul.f32 v10, v4;
	v10 =	vadd.s32 $0x221, v7;
	[tilespmem:v7+s20+$0x0] =	vst.idx.add.f32.msk vm2, v8  }
0x92: {  	[tilespmem:v16+s20+$0x0] =	vst.idx.add.f32.msk vm0, v6  }
0x93: {  	v4 =	vsub.f32 v4, v9;
	[tilespmem:v12+s20+$0x0] =	vst.idx.add.f32.msk vm2, v18  }
0x94: {  	[tilespmem:v17+s20+$0x0] =	vst.idx.add.f32.msk vm0, v11  }
0x95: {  	[tilespmem:v5+s20+$0x0] =	vst.idx.add.f32.msk vm3, v4  }
0x96: {  	[tilespmem:v10+s20+$0x0] =	vst.idx.add.f32.msk vm3, v9  }
0x97: {  	v4 =	vld [tilespmem:$0x2FF0];
	_ =	sdelay $0x1  }
0x98: {  	s8 =	sor.u32 $0x7, s25;
	v5 =	vld [tilespmem:$0x1FF0]  }
0x99: {  	s8 =	scvt.s32.f32 s8;
	v6 =	vld [tilespmem:$0x12DF0];
	_ =	sdelay $0x1  }
0x9a: {  	v4 =	vadd.f32 s8, v4;
	_ =	sdelay $0x1  }
0x9b: {  	v7 =	vtrunc.f32 v4  }
0x9c: {  	v5 =	vadd.f32 v6, v5;
	v6 =	vcvt.f32.s32 v7;
	vm0 =	vlt.f32 v4, v7  }
0x9d: {  	v7 =	vsel vm0, $0xFFFFFFFF, v3  }
0x9e: {  	v8 =	vld [tilespmem:$0xFF0];
	v9 =	vtrunc.f32 v5;
	v6 =	vadd.s32 v6, v7  }
0x9f: {  	vm0 =	vlt.f32 v5, v9;
	v7 =	vcvt.f32.s32 v9;
	v9 =	vcvt.s32.f32 v6  }
0xa0: {  	v10 =	vsel vm0, $0xFFFFFFFF, v3  }
0xa1: {  	v7 =	vadd.s32 v7, v10;
	v4 =	vsub.f32 v4, v9  }
0xa2: {  	v9 =	vcvt.s32.f32 v7;
	v7 =	vadd.s32 $0x10, v7  }
0xa3: {  	v6 =	vsub.s32 v6, v0;
	vm0 =	vgt.s32 v7, $0x0;
	v4 =	vmul.f32 v4, v8  }
0xa4: {  	v5 =	vsub.f32 v5, v9;
	v7 =	vnsel vm0, $0x0, v7;
	v9 =	vmul.u32 $0x220, v6  }
0xa5: {  	vm0 =	vlt.u32 v6, $0x60;
	v7 =	vmin.u32 v7, $0x21E;
	v8 =	vsub.f32 v8, v4  }
0xa6: {  	v6 =	vadd.s32 $0x1, v6;
	v7 =	vadd.s32 v9, v7  }
0xa7: {  	vm1 =	vlt.u32 v6, $0x60;
	v9 =	vadd.s32 $0x1, v7;
	v6 =	vmul.f32 v8, v5  }
0xa8: {  	v10 =	vadd.s32 $0x220, v7  }
0xa9: {  	v11 =	vadd.s32 $0x221, v7;
	v5 =	vmul.f32 v5, v4;
	v8 =	vsub.f32 v8, v6;
	_ =	sdelay $0x1  }
0xaa: {  	p2 =	seq.s32 s1, $0x3;
	v4 =	vsub.f32 v4, v5;
	[tilespmem:v7+s20+$0x0] =	vst.idx.add.f32.msk vm0, v8  }
0xab: {  	s8 =	sadd.s32 @!p2 s10, s5;
	[tilespmem:v9+s20+$0x0] =	vst.idx.add.f32.msk vm0, v6  }
0xac: {  	s8 =	sshrl.u32 @!p2 s8, $0x3;
	[tilespmem:v10+s20+$0x0] =	vst.idx.add.f32.msk vm1, v4  }
0xad: {  	s10 =	simm.s32 @!p2 $0x0;
	s9 =	sadd.s32 @!p2 s0, s8;
	[tilespmem:v11+s20+$0x0] =	vst.idx.add.f32.msk vm1, v5  }
0xae: {  	[tilespmem:s10], [sflag:$0x1] =	stream.linear.gather @!p2 [hbm4b:s9+s10], $0x1000, $0x38;
	[tilespmem:$0x19400] =	vst v63  }
0xaf: {  	s11 =	simm.s32 @!p2 $0x1000;
	s9 =	sadd.s32 @!p2 s2, s8  }
0xb0: {  	[tilespmem:s11], [sflag:$0x1] =	stream.linear.gather @!p2 [hbm4b:s9+s10], $0x1000, $0x38;
	[tilespmem:$0x19400] =	vst v63  }
0xb1: {  	s8 =	sadd.s32 @!p2 s3, s8;
	s9 =	simm.s32 @!p2 $0x2000  }
0xb2: {  	[tilespmem:s9], [sflag:$0x1] =	stream.linear.gather @!p2 [hbm4b:s8+s10], $0x1000, $0x38;
	[tilespmem:$0x19400] =	vst v63  }
0xb3: {  	_ =	swait.ge [sflag:s21], $0x1000  }
0xb4: {  	[sflag:s21] =	ssyncset.done $0x0  }
0xb5: {  	[sflag:s21] =	ssyncadd.s32 $0xFFFFF000  }
0xb6: {  	_ =	swait.ge [sflag:s21], $0x1000  }
0xb7: {  	[sflag:s21] =	ssyncset.done $0x0  }
0xb8: {  	[sflag:s21] =	ssyncadd.s32 $0xFFFFF000  }
0xb9: {  	_ =	swait.ge [sflag:s21], $0x1000  }
0xba: {  	[sflag:s21] =	ssyncset.done $0x0  }
0xbb: {  	s10 =	simm.s32 $0x5010;
	[sflag:s21] =	ssyncadd.s32 $0xFFFFF000  }
0xbc: {  	s26 =	simm.s32 $0x4010;
	s9 =	simm.s32 $0x20;
	v4 =	vld [tilespmem:s10+$0x10]  }
0xbd: {  	s24 =	sand.u32 $0x1F0, s9;
	v6 =	vld [tilespmem:s26+$0x10]  }
0xbe: {  	s11 =	sor.u32 $0x8, s25;
	v7 =	vld [tilespmem:s24+$0x12C00]  }
0xbf: {  	s12 =	sadd.s32 $0x0, s11;
	v5 =	vld [tilespmem:s10+$0xFFFFFFF0]  }
0xc0: {  	s14 =	simm.s32 $0x0;
	s29 =	scvt.s32.f32 s12;
	v8 =	vld [tilespmem:s10+$0x0]  }
0xc1: {  	s15 =	sor.u32 s11, s14  }
0xc2: {  	s22 =	sadd.s32 $0x0, s11;
	s12 =	scvt.s32.f32 s15;
	v4 =	vadd.f32 s29, v4  }
0xc3: {  	s8 =	scvt.s32.f32 s22;
	v6 =	vadd.f32 v7, v6  }
0xc4: {  	s23 =	simm.s32 $0x0;
	v5 =	vadd.f32 s12, v5;
	v9 =	vtrunc.f32 v4  }
0xc5: {  	v57 =	vld [tilespmem:s26+$0xFFFFFFF0];
	v8 =	vadd.f32 s8, v8;
	s8 =	sand.u32 $0x1F0, s23;
	v13 =	vtrunc.f32 v6;
	vm0 =	vlt.f32 v4, v9  }
0xc6: {  	v14 =	vld [tilespmem:s8+$0x12C00];
	v7 =	vcvt.f32.s32 v9;
	v9 =	vtrunc.f32 v5;
	v10 =	vsel vm0, $0xFFFFFFFF, v3  }
0xc7: {  	v11 =	vcvt.f32.s32 v9;
	vm0 =	vlt.f32 v6, v13;
	vm2 =	vlt.f32 v5, v9  }
0xc8: {  	s12 =	simm.s32 $0x3010;
	v9 =	vtrunc.f32 v8;
	v7 =	vadd.s32 v7, v10;
	v10 =	vcvt.f32.s32 v13  }
0xc9: {  	v12 =	vld [tilespmem:s12+$0x10];
	v15 =	vsel vm0, $0xFFFFFFFF, v3;
	v58 =	vcvt.f32.s32 v9  }
0xca: {  	s24 =	simm.s32 $0x10;
	vm3 =	vlt.f32 v8, v9;
	v13 =	vcvt.s32.f32 v7;
	v10 =	vadd.s32 v10, v15  }
0xcb: {  	s29 =	sand.u32 $0x1F0, s24;
	v7 =	vsub.s32 v7, v0;
	v14 =	vadd.f32 v14, v57;
	v15 =	vld [tilespmem:s26+$0x0];
	v9 =	vadd.s32 $0x10, v10  }
0xcc: {  	vm0 =	vlt.u32 v7, $0x60;
	v4 =	vsub.f32 v4, v13;
	v13 =	vld [tilespmem:s29+$0x12C00];
	vm1 =	vgt.s32 v9, $0x0  }
0xcd: {  	v59 =	vmul.u32 $0x220, v7;
	v10 =	vcvt.s32.f32 v10;
	v9 =	vnsel vm1, $0x0, v9  }
0xce: {  	v7 =	vadd.s32 $0x1, v7;
	v4 =	vmul.f32 v4, v12;
	v9 =	vmin.u32 v9, $0x21E  }
0xcf: {  	v6 =	vsub.f32 v6, v10;
	vm1 =	vlt.u32 v7, $0x60;
	v9 =	vadd.s32 v59, v9  }
0xd0: {  	v10 =	vsub.f32 v12, v4;
	v12 =	vsel vm2, $0xFFFFFFFF, v3;
	v60 =	vadd.s32 $0x1, v9  }
0xd1: {  	v13 =	vadd.f32 v13, v15;
	v15 =	vmul.f32 v6, v4;
	v61 =	vadd.s32 v11, v12  }
0xd2: {  	v11 =	vsel vm3, $0xFFFFFFFF, v3;
	v23 =	vadd.s32 $0x220, v9;
	v7 =	vmul.f32 v10, v6  }
0xd3: {  	v62 =	vadd.s32 $0x221, v9;
	v6 =	vtrunc.f32 v14;
	v12 =	vcvt.s32.f32 v61  }
0xd4: {  	v19 =	vld [tilespmem:s12+$0xFFFFFFF0];
	v17 =	vadd.s32 v58, v11;
	v11 =	vtrunc.f32 v13;
	vm2 =	vlt.f32 v14, v6  }
0xd5: {  	v21 =	vld [tilespmem:s12+$0x0];
	v6 =	vcvt.f32.s32 v6;
	v63 =	vsub.f32 v4, v15;
	v20 =	vcvt.f32.s32 v11  }
0xd6: {  	vm3 =	vlt.f32 v13, v11;
	v5 =	vsub.f32 v5, v12;
	v12 =	vcvt.s32.f32 v17  }
0xd7: {  	v11 =	vsel vm2, $0xFFFFFFFF, v3;
	v10 =	vsub.f32 v10, v7;
	v22 =	vsel vm3, $0xFFFFFFFF, v3  }
0xd8: {  	v6 =	vadd.s32 v6, v11;
	v11 =	vadd.s32 v20, v22;
	v4 =	vsub.f32 v8, v12  }
0xd9: {  	v8 =	vcvt.s32.f32 v6;
	v24 =	vadd.s32 $0x10, v6;
	v6 =	vmul.f32 v5, v19;
	[tilespmem:v9+s20+$0x0] =	vst.idx.add.f32.msk vm0, v10  }
0xda: {  	v5 =	vcvt.s32.f32 v11;
	v12 =	vadd.s32 $0x10, v11;
	[tilespmem:v60+s20+$0x0] =	vst.idx.add.f32.msk vm0, v7;
	v4 =	vmul.f32 v4, v21  }
0xdb: {  	v7 =	vsub.s32 v61, v0;
	v11 =	vsub.f32 v14, v8;
	v9 =	vsub.f32 v19, v6  }
0xdc: {  	vm2 =	vgt.s32 v24, $0x0;
	[tilespmem:v23+s20+$0x0] =	vst.idx.add.f32.msk vm1, v63;
	v10 =	vsub.f32 v13, v5;
	v8 =	vsub.f32 v21, v4  }
0xdd: {  	s8 =	simm.s32 $0x0;
	vm0 =	vgt.s32 v12, $0x0;
	[tilespmem:v62+s20+$0x0] =	vst.idx.add.f32.msk vm1, v15;
	v13 =	vnsel vm2, $0x0, v24;
	v5 =	vsub.s32 v17, v0  }
.LBB2_9:
0xde: {  	v14 =	vmul.f32 v9, v11;
	v12 =	vnsel vm0, $0x0, v12;
	v15 =	vmul.f32 v8, v10;
	s14 =	smov.u32 s8;
	s8 =	sadd.s32 $0x3, s8  }
0xdf: {  	v11 =	vmul.f32 v11, v6;
	v16 =	vmul.u32 $0x220, v7;
	v10 =	vmul.f32 v10, v4;
	s10 =	sadd.s32 $0x30, s10;
	s15 =	sshrl.u32 s8, $0x5  }
0xe0: {  	v13 =	vmin.u32 v13, $0x21E;
	v18 =	vmul.u32 $0x220, v5;
	s22 =	sadd.s32 $0x5, s14;
	v12 =	vmin.u32 v12, $0x21E;
	s15 =	sor.u32 s11, s15;
	v17 =	vld [tilespmem:s10+$0x10]  }
0xe1: {  	s9 =	sadd.s32 $0x30, s9;
	s26 =	sadd.s32 $0x30, s26;
	s22 =	sshrl.u32 s22, $0x5;
	v13 =	vadd.s32 v16, v13;
	v9 =	vsub.f32 v9, v14;
	v8 =	vsub.f32 v8, v15;
	v19 =	vld [tilespmem:s10+$0xFFFFFFF0]  }
0xe2: {  	s23 =	sadd.s32 $0xFFFFFFE0, s9;
	s24 =	sand.u32 $0x1F0, s9;
	v6 =	vsub.f32 v6, v11;
	v12 =	vadd.s32 v18, v12;
	v4 =	vsub.f32 v4, v10;
	s22 =	sadd.s32 s11, s22;
	v16 =	vld [tilespmem:s26+$0x10]  }
0xe3: {  	v20 =	vadd.s32 $0x1, v7;
	v22 =	vadd.s32 $0x1, v5;
	s29 =	sadd.s32 $0xFFFFFFF0, s9;
	s23 =	sand.u32 $0x1F0, s23;
	v21 =	vadd.s32 $0x220, v13;
	s22 =	scvt.s32.f32 s22;
	v18 =	vld [tilespmem:s24+$0x12C00]  }
0xe4: {  	s14 =	sadd.s32 $0x4, s14;
	s15 =	scvt.s32.f32 s15;
	v24 =	vadd.s32 $0x1, v13;
	v25 =	vadd.s32 $0x221, v13;
	v26 =	vadd.s32 $0x220, v12;
	s24 =	sand.u32 $0x1F0, s29;
	v23 =	vld [tilespmem:s10+$0x0]  }
0xe5: {  	p2 =	slt.u32 s8, $0xFC;
	s14 =	sshrl.u32 s14, $0x5;
	v28 =	vadd.s32 $0x1, v12;
	v29 =	vadd.s32 $0x221, v12;
	v27 =	vld [tilespmem:s23+$0x12C00];
	v17 =	vadd.f32 s22, v17  }
0xe6: {  	vm2 =	vlt.u32 v20, $0x60;
	vm0 =	vlt.u32 v22, $0x60;
	s14 =	sadd.s32 s11, s14;
	v19 =	vadd.f32 s15, v19;
	v30 =	vld [tilespmem:s24+$0x12C00]  }
0xe7: {  	vm4 =	vlt.u32 v7, $0x60;
	vm1 =	vlt.u32 v5, $0x60;
	s14 =	scvt.s32.f32 s14;
	v20 =	vld [tilespmem:s26+$0xFFFFFFF0];
	v22 =	vtrunc.f32 v17  }
0xe8: {  	v5 =	vld [tilespmem:s26+$0x0];
	v7 =	vadd.f32 v18, v16;
	v16 =	vcvt.f32.s32 v22;
	vm3 =	vlt.f32 v17, v22  }
0xe9: {  	s12 =	sadd.s32 $0x30, s12;
	v18 =	vtrunc.f32 v19;
	v22 =	vadd.f32 s14, v23;
	v23 =	vsel vm3, $0xFFFFFFFF, v3  }
0xea: {  	v31 =	vcvt.f32.s32 v18;
	v32 =	vld [tilespmem:s12+$0x10];
	v33 =	vtrunc.f32 v7;
	v16 =	vadd.s32 v16, v23  }
0xeb: {  	v23 =	vld [tilespmem:s12+$0xFFFFFFF0];
	v34 =	vcvt.f32.s32 v33;
	vm3 =	vlt.f32 v7, v33;
	v33 =	vcvt.s32.f32 v16  }
0xec: {  	vm5 =	vlt.f32 v19, v18;
	v35 =	vtrunc.f32 v22;
	v18 =	vld [tilespmem:s12+$0x0];
	v36 =	vsel vm3, $0xFFFFFFFF, v3  }
0xed: {  	v37 =	vcvt.f32.s32 v35;
	v34 =	vadd.s32 v34, v36;
	v17 =	vsub.f32 v17, v33;
	[tilespmem:v13+s20+$0x0] =	vst.idx.add.f32.msk vm4, v9  }
0xee: {  	vm3 =	vlt.f32 v22, v35;
	v9 =	vsub.s32 v16, v0;
	v13 =	vadd.s32 $0x10, v34;
	[tilespmem:v24+s20+$0x0] =	vst.idx.add.f32.msk vm4, v14  }
0xef: {  	v14 =	vcvt.s32.f32 v34;
	vm6 =	vgt.s32 v13, $0x0;
	v16 =	vmul.f32 v17, v32;
	[tilespmem:v21+s20+$0x0] =	vst.idx.add.f32.msk vm2, v6  }
0xf0: {  	vm4 =	vlt.u32 v9, $0x60;
	v6 =	vnsel vm6, $0x0, v13;
	v13 =	vmul.u32 $0x220, v9;
	[tilespmem:v25+s20+$0x0] =	vst.idx.add.f32.msk vm2, v11  }
0xf1: {  	v7 =	vsub.f32 v7, v14;
	v6 =	vmin.u32 v6, $0x21E;
	v11 =	vsub.f32 v32, v16;
	[tilespmem:v12+s20+$0x0] =	vst.idx.add.f32.msk vm1, v8  }
0xf2: {  	v9 =	vadd.s32 $0x1, v9;
	v8 =	vadd.f32 v27, v20;
	v6 =	vadd.s32 v13, v6;
	[tilespmem:v28+s20+$0x0] =	vst.idx.add.f32.msk vm1, v15  }
0xf3: {  	vm1 =	vlt.u32 v9, $0x60;
	v9 =	vmul.f32 v11, v7;
	v12 =	vadd.s32 $0x1, v6;
	[tilespmem:v26+s20+$0x0] =	vst.idx.add.f32.msk vm0, v4  }
0xf4: {  	v5 =	vadd.f32 v30, v5;
	v4 =	vsel vm5, $0xFFFFFFFF, v3;
	v13 =	vadd.s32 $0x220, v6;
	[tilespmem:v29+s20+$0x0] =	vst.idx.add.f32.msk vm0, v10  }
0xf5: {  	v7 =	vmul.f32 v7, v16;
	v10 =	vsub.f32 v11, v9;
	v11 =	vadd.s32 $0x221, v6  }
0xf6: {  	v14 =	vtrunc.f32 v8;
	v15 =	vadd.s32 v31, v4;
	v4 =	vsel vm3, $0xFFFFFFFF, v3  }
0xf7: {  	v17 =	vcvt.s32.f32 v15;
	v20 =	vadd.s32 v37, v4;
	v4 =	vsub.f32 v16, v7;
	[tilespmem:v6+s20+$0x0] =	vst.idx.add.f32.msk vm4, v10  }
0xf8: {  	vm0 =	vlt.f32 v8, v14;
	v6 =	vtrunc.f32 v5;
	v10 =	vcvt.s32.f32 v20;
	[tilespmem:v12+s20+$0x0] =	vst.idx.add.f32.msk vm4, v9  }
0xf9: {  	v9 =	vcvt.f32.s32 v14;
	v12 =	vcvt.f32.s32 v6;
	vm2 =	vlt.f32 v5, v6;
	[tilespmem:v13+s20+$0x0] =	vst.idx.add.f32.msk vm1, v4  }
0xfa: {  	v6 =	vsub.f32 v19, v17;
	v4 =	vsel vm0, $0xFFFFFFFF, v3;
	v13 =	vsel vm2, $0xFFFFFFFF, v3;
	[tilespmem:v11+s20+$0x0] =	vst.idx.add.f32.msk vm1, v7  }
0xfb: {  	v4 =	vadd.s32 v9, v4;
	v7 =	vadd.s32 v12, v13;
	v9 =	vsub.f32 v22, v10  }
.Ltmp3:
0xfc: {  	v6 =	vmul.f32 v6, v23;
	v10 =	vcvt.s32.f32 v4;
	v13 =	vadd.s32 $0x10, v4;
	(pc) =	sbr.rel @p2 .LBB2_9-.Ltmp3, $4  }
0xfd: {  	v14 =	vcvt.s32.f32 v7;
	v12 =	vadd.s32 $0x10, v7;
	v4 =	vmul.f32 v9, v18  }
0xfe: {  	vm1 =	vgt.s32 v13, $0x0;
	v9 =	vsub.f32 v23, v6;
	v11 =	vsub.f32 v8, v10  }
0xff: {  	vm0 =	vgt.s32 v12, $0x0;
	v10 =	vsub.f32 v5, v14;
	v8 =	vsub.f32 v18, v4  }
0x100: {  	v7 =	vsub.s32 v15, v0;
	v13 =	vnsel vm1, $0x0, v13;
	v5 =	vsub.s32 v20, v0  }
0x101: {  	v14 =	vmul.u32 $0x220, v7;
	v13 =	vmin.u32 v13, $0x21E  }
0x102: {  	vm1 =	vlt.u32 v7, $0x60;
	v12 =	vnsel vm0, $0x0, v12;
	v50 =	vmul.u32 $0x220, v5  }
0x103: {  	vm2 =	vlt.u32 v5, $0x60;
	v49 =	vmin.u32 v12, $0x21E;
	v13 =	vadd.s32 v14, v13  }
0x104: {  	v15 =	vmul.f32 v9, v11;
	v47 =	vadd.s32 $0x1, v7;
	v7 =	vadd.s32 v50, v49  }
0x105: {  	v18 =	vmul.f32 v8, v10;
	v5 =	vadd.s32 $0x1, v5;
	v14 =	vadd.s32 $0x1, v13  }
0x106: {  	vm10 =	vlt.u32 v47, $0x60;
	v9 =	vsub.f32 v9, v15;
	v12 =	vadd.s32 $0x1, v7  }
0x107: {  	vm3 =	vlt.u32 v5, $0x60;
	v8 =	vsub.f32 v8, v18;
	v16 =	vadd.s32 $0x220, v13  }
0x108: {  	v48 =	vmul.f32 v11, v6;
	v5 =	vadd.s32 $0x220, v7;
	[tilespmem:v13+s20+$0x0] =	vst.idx.add.f32.msk vm1, v9  }
0x109: {  	v51 =	vmul.f32 v10, v4;
	v17 =	vadd.s32 $0x221, v13;
	[tilespmem:v7+s20+$0x0] =	vst.idx.add.f32.msk vm2, v8  }
0x10a: {  	v6 =	vsub.f32 v6, v48;
	v52 =	vadd.s32 $0x221, v7;
	[tilespmem:v14+s20+$0x0] =	vst.idx.add.f32.msk vm1, v15  }
0x10b: {  	v4 =	vsub.f32 v4, v51;
	[tilespmem:v12+s20+$0x0] =	vst.idx.add.f32.msk vm2, v18  }
0x10c: {  	[tilespmem:v16+s20+$0x0] =	vst.idx.add.f32.msk vm10, v6  }
0x10d: {  	[tilespmem:v5+s20+$0x0] =	vst.idx.add.f32.msk vm3, v4  }
0x10e: {  	[tilespmem:v17+s20+$0x0] =	vst.idx.add.f32.msk vm10, v48  }
0x10f: {  	[tilespmem:v52+s20+$0x0] =	vst.idx.add.f32.msk vm3, v51  }
0x110: {  	v4 =	vld [tilespmem:$0x5FF0];
	_ =	sdelay $0x1  }
0x111: {  	s8 =	sor.u32 $0xF, s25;
	v5 =	vld [tilespmem:$0x4FF0]  }
0x112: {  	s8 =	scvt.s32.f32 s8;
	v6 =	vld [tilespmem:$0x12DF0];
	_ =	sdelay $0x1  }
0x113: {  	v4 =	vadd.f32 s8, v4;
	_ =	sdelay $0x1  }
0x114: {  	v53 =	vtrunc.f32 v4  }
0x115: {  	v5 =	vadd.f32 v6, v5;
	v54 =	vcvt.f32.s32 v53;
	vm11 =	vlt.f32 v4, v53  }
0x116: {  	v7 =	vsel vm11, $0xFFFFFFFF, v3  }
0x117: {  	v8 =	vld [tilespmem:$0x3FF0];
	v55 =	vtrunc.f32 v5;
	v6 =	vadd.s32 v54, v7  }
0x118: {  	v56 =	vcvt.f32.s32 v55;
	vm12 =	vlt.f32 v5, v55;
	v57 =	vcvt.s32.f32 v6  }
0x119: {  	v58 =	vsel vm12, $0xFFFFFFFF, v3  }
0x11a: {  	v7 =	vadd.s32 v56, v58;
	v4 =	vsub.f32 v4, v57  }
0x11b: {  	v59 =	vcvt.s32.f32 v7;
	v7 =	vadd.s32 $0x10, v7  }
0x11c: {  	v6 =	vsub.s32 v6, v0;
	vm13 =	vgt.s32 v7, $0x0;
	v4 =	vmul.f32 v4, v8  }
0x11d: {  	v60 =	vmul.u32 $0x220, v6;
	vm14 =	vlt.u32 v6, $0x60;
	v7 =	vnsel vm13, $0x0, v7  }
0x11e: {  	v5 =	vsub.f32 v5, v59;
	v7 =	vmin.u32 v7, $0x21E;
	v8 =	vsub.f32 v8, v4  }
0x11f: {  	v6 =	vadd.s32 $0x1, v6;
	v7 =	vadd.s32 v60, v7  }
0x120: {  	vm15 =	vlt.u32 v6, $0x60;
	v9 =	vadd.s32 $0x1, v7;
	v61 =	vmul.f32 v8, v5  }
0x121: {  	s1 =	sadd.s32 $0x1, s1;
	v62 =	vadd.s32 $0x220, v7  }
0x122: {  	p2 =	sne.s32 s1, $0x4;
	v63 =	vadd.s32 $0x221, v7;
	v5 =	vmul.f32 v5, v4;
	v8 =	vsub.f32 v8, v61  }
.Ltmp4:
0x123: {  	_ = 	snop;
	(pc) =	sbr.rel @p2 .LBB2_6-.Ltmp4, $4  }
0x124: {  	v4 =	vsub.f32 v4, v5;
	[tilespmem:v7+s20+$0x0] =	vst.idx.add.f32.msk vm14, v8  }
0x125: {  	[tilespmem:v9+s20+$0x0] =	vst.idx.add.f32.msk vm14, v61  }
0x126: {  	[tilespmem:v62+s20+$0x0] =	vst.idx.add.f32.msk vm15, v4  }
0x127: {  	[tilespmem:v63+s20+$0x0] =	vst.idx.add.f32.msk vm15, v5  }
0x128: {  	s30 =	sadd.s32 $0x1, s30  }
0x129: {  	p2 =	sne.s32 s30, $0x8  }
.Ltmp5:
0x12a: {  	_ = 	snop;
	(pc) =	sbr.rel @p2 .LBB2_5-.Ltmp5, $1  }
0x12b: {  	_ =	sdelay $0x3  }
0x12c: {  	s1 =	rddreg [dreg:$0x6]  }
0x12d: {  	s11 =	simm.s32 $0x80;
	s12 =	simm.s32 $0x100;
	s14 =	simm.s32 $0x4  }
0x12e: {  	[spmem:s1] =	stream.strided.scatter [tilespmem:s20], [sflag:$0x4], $0x2200, s12, s11, $0x38;
	[tilespmem:$0x19400] =	vst v63  }
0x12f: {  	_ =	swait.ge [sflag:s14], $0x2200  }
0x130: {  	[sflag:s14] =	ssyncset.done $0x0  }
0x131: {  	s5 =	simm.s32 $0x10A00;
	s31 =	rddreg [dreg:$0x7];
	[sflag:s14] =	ssyncadd.s32 $0xFFFFDE00  }
0x132: {  	[spmem:s31] =	stream.strided.scatter [tilespmem:s5], [sflag:$0x4], $0x2200, s12, s11, $0x38;
	[tilespmem:$0x19400] =	vst v63  }
.Ltmp6:
0x133: {  	_ =	swait.ge [sflag:s14], $0x2200;
	(pc) =	sbr.rel @p0 .LBB2_16-.Ltmp6, $3  }
0x134: {  	[sflag:s14] =	ssyncset.done $0x0  }
0x135: {  	[sflag:s14] =	ssyncadd.s32 $0xFFFFDE00  }
0x136: {  	[bflag:$0x0] =	sbarrier.arrive $0xFFFF;
	_ =	sdelay $0x1  }
0x137: {  	s1 =	rddreg [dreg:$0x8];
	s5 =	simm.s32 $0x12E00  }
0x138: {  	[tilespmem:s5], [sflag:$0x4] =	stream.strided.gather [spmem:s1], $0x2200, s12, s11, $0x38;
	[tilespmem:$0x19400] =	vst v63  }
0x139: {  	_ =	swait.ge [sflag:s14], $0x2200  }
0x13a: {  	[sflag:s14] =	ssyncset.done $0x0  }
0x13b: {  	s26 =	simm.s32 $0x12E20;
	[sflag:s14] =	ssyncadd.s32 $0xFFFFDE00  }
0x13c: {  	v4 =	vld [tilespmem:s26+$0x10]  }
0x13d: {  	v5 =	vld [tilespmem:s26+$0xFFFFFFF0]  }
0x13e: {  	v6 =	vld [tilespmem:s26+$0x0]  }
0x13f: {  	s30 =	simm.s32 $0x12E60;
	v7 =	vld [tilespmem:s26+$0xFFFFFFE0]  }
0x140: {  	s29 =	simm.s32 $0x8230;
	v8 =	vld [tilespmem:s30+$0x0]  }
0x141: {  	[tilespmem:s29+$0x0] =	vst.add.f32.msk $0xffff, v4  }
0x142: {  	[tilespmem:s29+$0xFFFFFFE0] =	vst.add.f32.msk $0xffff, v5  }
0x143: {  	[tilespmem:s29+$0xFFFFFFF0] =	vst.add.f32.msk $0xffff, v6  }
0x144: {  	v5 =	vld [tilespmem:s30+$0x10]  }
0x145: {  	s1 =	simm.s32 $0x0;
	v6 =	vld [tilespmem:s30+$0xFFFFFFF0]  }
0x146: {  	s31 =	sand.u32 $0x3FC0, s1;
	v4 =	vld [tilespmem:s30+$0xFFFFFFE0]  }
0x147: {  	s5 =	simm.s32 $0x8270;
	[tilespmem:s31+$0x8200] =	vst.add.f32.msk $0xffff, v7  }
0x148: {  	[tilespmem:s5+$0xFFFFFFF0] =	vst.add.f32.msk $0xffff, v8  }
0x149: {  	[tilespmem:s5+$0x0] =	vst.add.f32.msk $0xffff, v5  }
0x14a: {  	s8 =	simm.s32 $0x4;
	s9 =	simm.s32 $0x12EA0;
	[tilespmem:s5+$0xFFFFFFE0] =	vst.add.f32.msk $0xffff, v6  }
.LBB2_14:
0x14b: {  	v5 =	vld [tilespmem:s9+$0x10];
	s8 =	sadd.s32 $0x4, s8;
	v6 =	vmov v4  }
0x14c: {  	v7 =	vld [tilespmem:s9+$0xFFFFFFF0];
	p2 =	slt.u32 s8, $0x21C  }
0x14d: {  	s1 =	sadd.s32 $0x40, s1;
	v8 =	vld [tilespmem:s9+$0x0]  }
.Ltmp7:
0x14e: {  	s10 =	sand.u32 $0x3FC0, s1;
	v4 =	vld [tilespmem:s9+$0xFFFFFFE0];
	(pc) =	sbr.rel @p2 .LBB2_14-.Ltmp7, $4  }
0x14f: {  	s5 =	sadd.s32 $0x40, s5;
	[tilespmem:s10+$0x8200] =	vst.add.f32.msk $0xffff, v6  }
0x150: {  	[tilespmem:s5+$0x0] =	vst.add.f32.msk $0xffff, v5  }
0x151: {  	[tilespmem:s5+$0xFFFFFFE0] =	vst.add.f32.msk $0xffff, v7  }
0x152: {  	s9 =	sadd.s32 $0x40, s9;
	[tilespmem:s5+$0xFFFFFFF0] =	vst.add.f32.msk $0xffff, v8  }
.Ltmp8:
0x153: {  	(pc) =	sbr.rel @p1 .LBB2_19-.Ltmp8, $4  }
0x154: {  	_ = 	snop  }
0x155: {  	s1 =	sadd.s32 $0x40, s1  }
0x156: {  	s1 =	sand.u32 $0x3FC0, s1  }
0x157: {  	[tilespmem:s1+$0x8200] =	vst.add.f32.msk $0xffff, v4  }
.LBB2_16:
0x158: {  	s1 =	rddreg [dreg:$0x9];
	s5 =	simm.s32 $0x12E00  }
0x159: {  	[tilespmem:s5], [sflag:$0x4] =	stream.strided.gather [spmem:s1], $0x2200, s12, s11, $0x38;
	[tilespmem:$0x19400] =	vst v63  }
0x15a: {  	_ =	swait.ge [sflag:s14], $0x2200  }
0x15b: {  	[sflag:s14] =	ssyncset.done $0x0  }
0x15c: {  	s26 =	simm.s32 $0x12E20;
	[sflag:s14] =	ssyncadd.s32 $0xFFFFDE00  }
0x15d: {  	v4 =	vld [tilespmem:s26+$0x10]  }
0x15e: {  	v5 =	vld [tilespmem:s26+$0xFFFFFFF0]  }
0x15f: {  	v6 =	vld [tilespmem:s26+$0x0]  }
0x160: {  	s30 =	simm.s32 $0x12E60;
	v7 =	vld [tilespmem:s26+$0xFFFFFFE0]  }
0x161: {  	s29 =	simm.s32 $0xE830;
	v8 =	vld [tilespmem:s30+$0x0]  }
0x162: {  	[tilespmem:s29+$0x0] =	vst.add.f32.msk $0xffff, v4  }
0x163: {  	[tilespmem:s29+$0xFFFFFFE0] =	vst.add.f32.msk $0xffff, v5  }
0x164: {  	[tilespmem:s29+$0xFFFFFFF0] =	vst.add.f32.msk $0xffff, v6  }
0x165: {  	v5 =	vld [tilespmem:s30+$0x10]  }
0x166: {  	s1 =	simm.s32 $0x0;
	v6 =	vld [tilespmem:s30+$0xFFFFFFF0]  }
0x167: {  	s31 =	sand.u32 $0x3FC0, s1;
	v4 =	vld [tilespmem:s30+$0xFFFFFFE0]  }
0x168: {  	s5 =	simm.s32 $0xE870;
	[tilespmem:s31+$0xE800] =	vst.add.f32.msk $0xffff, v7  }
0x169: {  	[tilespmem:s5+$0xFFFFFFF0] =	vst.add.f32.msk $0xffff, v8  }
0x16a: {  	[tilespmem:s5+$0x0] =	vst.add.f32.msk $0xffff, v5  }
0x16b: {  	s8 =	simm.s32 $0x4;
	s9 =	simm.s32 $0x12EA0;
	[tilespmem:s5+$0xFFFFFFE0] =	vst.add.f32.msk $0xffff, v6  }
.LBB2_17:
0x16c: {  	v5 =	vld [tilespmem:s9+$0x10];
	s8 =	sadd.s32 $0x4, s8;
	v6 =	vmov v4  }
0x16d: {  	v7 =	vld [tilespmem:s9+$0xFFFFFFF0];
	p2 =	slt.u32 s8, $0x21C  }
0x16e: {  	s1 =	sadd.s32 $0x40, s1;
	v8 =	vld [tilespmem:s9+$0x0]  }
.Ltmp9:
0x16f: {  	s10 =	sand.u32 $0x3FC0, s1;
	v4 =	vld [tilespmem:s9+$0xFFFFFFE0];
	(pc) =	sbr.rel @p2 .LBB2_17-.Ltmp9, $4  }
0x170: {  	s5 =	sadd.s32 $0x40, s5;
	[tilespmem:s10+$0xE800] =	vst.add.f32.msk $0xffff, v6  }
0x171: {  	[tilespmem:s5+$0x0] =	vst.add.f32.msk $0xffff, v5  }
0x172: {  	[tilespmem:s5+$0xFFFFFFE0] =	vst.add.f32.msk $0xffff, v7  }
0x173: {  	s9 =	sadd.s32 $0x40, s9;
	[tilespmem:s5+$0xFFFFFFF0] =	vst.add.f32.msk $0xffff, v8  }
0x174: {  	s1 =	sadd.s32 $0x40, s1  }
0x175: {  	s1 =	sand.u32 $0x3FC0, s1  }
0x176: {  	[tilespmem:s1+$0xE800] =	vst.add.f32.msk $0xffff, v4  }
.LBB2_19:
0x177: {  	s1 =	simm.s32 $0x0;
	s5 =	simm.s32 $0x8210  }
.LBB2_20:
0x178: {  	p2 =	sne.s32 s1, $0xFC0  }
.Ltmp10:
0x179: {  	_ = 	snop;
	(pc) =	sbr.rel @p2 .LBB2_20-.Ltmp10, $4  }
0x17a: {  	_ = 	snop  }
0x17b: {  	s8 =	sadd.s32 s1, s13  }
0x17c: {  	[hbm4b:s8+s4] =	stream.linear.scatter [tilespmem:s5], [sflag:$0x3], $0x200, $0x38;
	[tilespmem:$0x19400] =	vst v63  }
0x17d: {  	s1 =	sadd.s32 $0x40, s1;
	s5 =	sadd.s32 $0x220, s5  }
0x17e: {  	_ =	swait.ge [sflag:s28], $0x200  }
0x17f: {  	s1 =	simm.s32 $0x3F;
	[sflag:s28] =	ssyncset.done $0x0  }
.LBB2_22:
0x180: {  	p2 =	sne.s32 s1, $0x1;
	s1 =	sadd.s32 $0xFFFFFFFF, s1;
	[sflag:s28] =	ssyncadd.s32 $0xFFFFFE00  }
.Ltmp11:
0x181: {  	(pc) =	sbr.rel @p2 .LBB2_22-.Ltmp11, $3  }
0x182: {  	_ =	sdelay $0x1  }
0x183: {  	_ =	swait.ge [sflag:s28], $0x200  }
0x184: {  	[sflag:s28] =	ssyncset.done $0x0  }
0x185: {  	s5 =	rddreg [dreg:$0xb]  }
0x186: {  	s1 =	rddreg [dreg:$0xa];
	s5 =	sadd.s32 $0x1, s5  }
0x187: {  	p2 =	sne.s32 s5, s1  }
.Ltmp12:
0x188: {  	_ = 	snop;
	(pc) =	sbr.rel @p2 .LBB2_1-.Ltmp12, $2  }
0x189: {  	_ =	sdelay $0x2  }
0x18a: {  	[sflag:s28] =	ssyncadd.s32 $0xFFFFFE00  }
0x18b: {  	_ =	sfence.sel $0x180000  }
0x18c: {  	[bflag:$0x0] =	sbarrier.arrive $0xFFFF  }
0x18d: {  	_ =	strace $0x90000047  }
0x18e: {  	s0 =	stileid.u32;
	[bflag:$0x2] =	sbarrier.arrive $0xFFFF  }
0x18f: {  	p0 =	sne.s32 s0, $0x0;
	s0 =	rddreg [dreg:$0x5]  }
0x190: {  	s0 =	sadd.s32 @!p0 $0x100000, s0  }
0x191: {  	[sflag:s0] =	ssyncadd.tile.s32 @!p0 $0x1;
	_ =	shalt  }
.Lfunc_end2:
_tile_overlayer_lowered:
.L_overlay_start_2:
0x192: {  	(tag) =	ssettag $0x2  }
0x193: {  	s0 =	rddreg [dreg:$0x0];
	s2 =	stileid.u32  }
0x194: {  	s1 =	rddreg [dreg:$0x1];
	p0 =	sne.s32 s2, $0x0  }
0x195: {  	s3 =	rddreg [dreg:$0x2];
	[bflag:$0x3] =	sbarrier.arrive $0xFFFF;
	s2 =	simm.s32 @!p0 $0x1C04  }
0x196: {  	[timem:s3], [sflag:s2] =	dma.local @!p0 [hbm:s0], s1  }
0x197: {  	s0 =	simm.s32 @!p0 $0x4  }
0x198: {  	_ =	swait.ge @!p0 [sflag:s0], s1  }
0x199: {  	s1 =	ssub.s32 @!p0 $0x0, s1;
	[sflag:s0] =	ssyncset.done @!p0 $0x0  }
0x19a: {  	[sflag:s0] =	ssyncadd.s32 @!p0 s1  }
0x19b: {  	[bflag:$0x3] =	sbarrier.arrive $0xFFFF  }
0x19c: {  	_ =	shalt  }

</sc_bundles>
